<compile_context>
chip_gen: v7x
topology: tpu7x:2x2x1
jax: 0.10.2.dev20260603
libtpu: 0.0.44.dev20260713+nightly
codegen_flags: <defaults>
</compile_context>

<pallas_src>
import functools

import jax
import jax.numpy as jnp
from jax import lax
from jax.experimental import pallas as pl
from jax.experimental.pallas import tpu as pltpu
from jax.experimental.pallas import tpu_sc as plsc

N = 50000
D = 128
K = 9
OUT = 128

BT = 256
NB_TC = 76
N1 = BT * NB_TC
NUM_WORKERS = 32
B_SC = 64
NBLK_SC = 15
CHUNK = B_SC * NBLK_SC
N_SC = NUM_WORKERS * CHUNK
N_PAD = N1 + N_SC



def _tc_body(idx_ref, x_ref, w_ref, b_ref, o_ref, col_ref):
    def copy_group(g, _):
        r0 = g * 8
        for k in range(K):
            rows = jnp.concatenate(
                [x_ref[pl.ds(idx_ref[0, r0 + dr, k], 1), :]
                 for dr in range(8)], axis=0)
            col_ref[pl.ds(r0, 8), pl.ds(k * D, D)] = rows
        return 0

    lax.fori_loop(0, BT // 8, copy_group, 0, unroll=2)
    o_ref[...] = (
        jnp.dot(col_ref[...], w_ref[...], preferred_element_type=jnp.float32)
        + b_ref[...]
    )


def _tc_fused(feats, idx3, wt, b2):
    return pl.pallas_call(
        _tc_body,
        grid=(NB_TC,),
        in_specs=[
            pl.BlockSpec((1, BT, K), lambda i: (i, 0, 0),
                         memory_space=pltpu.SMEM),
            pl.BlockSpec((N, D), lambda i: (0, 0)),
            pl.BlockSpec((K * D, OUT), lambda i: (0, 0)),
            pl.BlockSpec((1, OUT), lambda i: (0, 0)),
        ],
        out_specs=pl.BlockSpec((BT, OUT), lambda i: (i, 0)),
        out_shape=jax.ShapeDtypeStruct((N1, OUT), jnp.float32),
        scratch_shapes=[pltpu.VMEM((BT, K * D), jnp.float32)],
    )(idx3, feats, wt, b2)



def _sc_gather(feats, idx_sc):
    mesh = plsc.VectorSubcoreMesh(core_axis_name="c", subcore_axis_name="s")

    @functools.partial(
        pl.kernel,
        mesh=mesh,
        out_type=jax.ShapeDtypeStruct((K * N_SC, D), jnp.float32),
        scratch_types=(
            [pltpu.VMEM((B_SC, D), jnp.float32) for _ in range(K)]
            + [pltpu.VMEM((CHUNK,), jnp.int32) for _ in range(K)]
            + [pltpu.SemaphoreType.DMA for _ in range(K)]
        ),
    )
    def run(x_hbm, idx_hbm, col_hbm, *rest):
        bufs = rest[:K]
        idx_vs = rest[K:2 * K]
        sems = rest[2 * K:]
        wid = lax.axis_index("s") * 2 + lax.axis_index("c")
        cbase = wid * CHUNK
        for k in range(K):
            pltpu.sync_copy(idx_hbm.at[pl.ds(k * N_SC + cbase, CHUNK)],
                            idx_vs[k])

        @pl.loop(0, NBLK_SC)
        def _(j):
            cps = [
                pltpu.async_copy(
                    x_hbm.at[idx_vs[k].at[pl.ds(j * B_SC, B_SC)]],
                    bufs[k], sems[k])
                for k in range(K)
            ]
            for k in range(K):
                cps[k].wait()
            for k in range(K):
                pltpu.sync_copy(
                    bufs[k],
                    col_hbm.at[pl.ds(k * N_SC + cbase + j * B_SC, B_SC)])

    return run(feats, idx_sc)



def _sc_mm_body(col_ref, w_ref, b_ref, o_ref):
    acc = b_ref[...]
    for k in range(K):
        acc = acc + jnp.dot(col_ref[k], w_ref[k],
                            preferred_element_type=jnp.float32)
    o_ref[...] = acc


def _sc_matmul(col_sc, w2, b2):
    return pl.pallas_call(
        _sc_mm_body,
        grid=(N_SC // BT,),
        in_specs=[
            pl.BlockSpec((K, BT, D), lambda i: (0, i, 0)),
            pl.BlockSpec((K, D, OUT), lambda i: (0, 0, 0)),
            pl.BlockSpec((1, OUT), lambda i: (0, 0)),
        ],
        out_specs=pl.BlockSpec((BT, OUT), lambda i: (i, 0)),
        out_shape=jax.ShapeDtypeStruct((N_SC, OUT), jnp.float32),
    )(col_sc, w2, b2)


def kernel(features, neigh_idx, W, b):
    idx = jnp.clip(neigh_idx.astype(jnp.int32), 0, N - 1)
    idx_pad = jnp.pad(idx, ((0, N_PAD - N), (0, 0)))
    idx3 = idx_pad[:N1].reshape(NB_TC, BT, K)
    idx_sc = jnp.transpose(idx_pad[N1:]).reshape(-1)
    wt = jnp.transpose(W)
    w2 = jnp.transpose(W.reshape(OUT, K, D), (1, 2, 0))
    b2 = b.reshape(1, OUT)

    col_sc = _sc_gather(features, idx_sc)
    out_tc = _tc_fused(features, idx3, wt, b2)
    out_sc = _sc_matmul(col_sc.reshape(K, N_SC, D), w2, b2)
    return jnp.concatenate([out_tc, out_sc], axis=0)[:N]

# --- scband reference (transcript-rebuilt; emitter-appended) ---
"""Pipeline reference for scband-quad-conv-16458314678313 (READ-ONLY COPY).

The authoritative reference and input builder live on the scoring server;
editing this copy changes nothing except your own understanding.
"""

import jax, jax.numpy as jnp
import numpy as np

N = 50000
D = 128
K = 9
OUT = 128

def setup_inputs(seed: int = 0) -> dict:
    key = jax.random.key(seed)
    k1, k2, k3, k4 = jax.random.split(key, 4)
    features = jax.random.normal(k1, (N, D), dtype=jnp.float32)
    neigh_idx = jax.random.randint(k2, (N, K), 0, N, dtype=jnp.int64 if jax.config.jax_enable_x64 else jnp.int32)
    # nn.Linear(9*in_channels, out_channels): W [OUT, K*D], b [OUT]
    bound = 1.0 / np.sqrt(K * D)
    W = jax.random.uniform(k3, (OUT, K * D), dtype=jnp.float32, minval=-bound, maxval=bound)
    b = jax.random.uniform(k4, (OUT,), dtype=jnp.float32, minval=-bound, maxval=bound)
    return {"features": features, "neigh_idx": neigh_idx, "W": W, "b": b}

def reference(features, neigh_idx, W, b):
    n, k = neigh_idx.shape
    # pad row for -1 (missing) neighbors
    pad_vec = jnp.zeros((1, features.shape[1]), dtype=features.dtype)
    feat_padded = jnp.concatenate([features, pad_vec], axis=0)
    gather_idx = jnp.where(neigh_idx == -1, n, neigh_idx)
    col = feat_padded[gather_idx]          # [N, K, D] gather
    col_flat = col.reshape(n, -1)          # [N, K*D]
    out = col_flat @ W.T + b               # nn.Linear
    return out

if __name__ == "__main__":
    import jax
    _d = setup_inputs()
    print(jax.jit(kernel)(*tuple(_d.values())))

</pallas_src>

<mosaic_0001>
#map = affine_map<(d0, d1) -> (0, 0)>
#map1 = affine_map<(d0, d1) -> (0)>
module attributes {stable_mosaic.version = 14 : i64} {
  func.func @run(%arg0: i32, %arg1: i32, %arg2: memref<50000x128xf32, #tpu.memory_space<hbm>>, %arg3: memref<276480xi32, #tpu.memory_space<hbm>>, %arg4: memref<276480x128xf32, #tpu.memory_space<hbm>>, %arg5: memref<64x128xf32, #tpu.memory_space<vmem>>, %arg6: memref<64x128xf32, #tpu.memory_space<vmem>>, %arg7: memref<64x128xf32, #tpu.memory_space<vmem>>, %arg8: memref<64x128xf32, #tpu.memory_space<vmem>>, %arg9: memref<64x128xf32, #tpu.memory_space<vmem>>, %arg10: memref<64x128xf32, #tpu.memory_space<vmem>>, %arg11: memref<64x128xf32, #tpu.memory_space<vmem>>, %arg12: memref<64x128xf32, #tpu.memory_space<vmem>>, %arg13: memref<64x128xf32, #tpu.memory_space<vmem>>, %arg14: memref<960xi32, #tpu.memory_space<vmem>>, %arg15: memref<960xi32, #tpu.memory_space<vmem>>, %arg16: memref<960xi32, #tpu.memory_space<vmem>>, %arg17: memref<960xi32, #tpu.memory_space<vmem>>, %arg18: memref<960xi32, #tpu.memory_space<vmem>>, %arg19: memref<960xi32, #tpu.memory_space<vmem>>, %arg20: memref<960xi32, #tpu.memory_space<vmem>>, %arg21: memref<960xi32, #tpu.memory_space<vmem>>, %arg22: memref<960xi32, #tpu.memory_space<vmem>>, %arg23: memref<!tpu.dma_semaphore, #tpu.memory_space<semaphore_mem>>, %arg24: memref<!tpu.dma_semaphore, #tpu.memory_space<semaphore_mem>>, %arg25: memref<!tpu.dma_semaphore, #tpu.memory_space<semaphore_mem>>, %arg26: memref<!tpu.dma_semaphore, #tpu.memory_space<semaphore_mem>>, %arg27: memref<!tpu.dma_semaphore, #tpu.memory_space<semaphore_mem>>, %arg28: memref<!tpu.dma_semaphore, #tpu.memory_space<semaphore_mem>>, %arg29: memref<!tpu.dma_semaphore, #tpu.memory_space<semaphore_mem>>, %arg30: memref<!tpu.dma_semaphore, #tpu.memory_space<semaphore_mem>>, %arg31: memref<!tpu.dma_semaphore, #tpu.memory_space<semaphore_mem>>) attributes {dimension_semantics = [#tpu.dimension_semantics<core_parallel>, #tpu.dimension_semantics<subcore_parallel>], iteration_bounds = array<i64: 2, 16>, scalar_prefetch = 0 : i64, scratch_operands = 27 : i64, tpu.core_type = #tpu.core_type<sc_vector_subcore>, window_params = [{transform_indices = #map}, {transform_indices = #map1}, {transform_indices = #map}]} {
    %mul3A = arith.constant 2 : i32
    %mul3A_0 = arith.muli %arg1, %mul3A : i32
    %add3A = arith.addi %mul3A_0, %arg0 : i32
    %mul3A_1 = arith.constant 960 : i32
    %mul3A_2 = arith.muli %add3A, %mul3A_1 : i32
    %add3A_3 = arith.constant 0 : i32
    %add3A_4 = arith.addi %add3A_3, %mul3A_2 : i32
    "tpu.region"() ({
      %run_scoped3A = tpu.sem_alloc : memref<!tpu.dma_semaphore, #tpu.memory_space<semaphore_mem>>
      %dma_start3A = tpu.memref_slice %arg3[%add3A_4] : memref<276480xi32, #tpu.memory_space<hbm>> -> memref<960xi32, #tpu.memory_space<hbm>>
      %dma_start3A_25 = tpu.memref_slice %arg3[%add3A_4] : memref<276480xi32, #tpu.memory_space<hbm>> -> memref<960xi32, #tpu.memory_space<hbm>>
      tpu.enqueue_dma source(%dma_start3A_25 : memref<960xi32, #tpu.memory_space<hbm>>) target(%arg14 : memref<960xi32, #tpu.memory_space<vmem>>) target_semaphore(%run_scoped3A : memref<!tpu.dma_semaphore, #tpu.memory_space<semaphore_mem>>)
      %dma_wait3A = tpu.memref_slice %arg3[%add3A_4] : memref<276480xi32, #tpu.memory_space<hbm>> -> memref<960xi32, #tpu.memory_space<hbm>>
      %dma_wait3A_26 = tpu.memref_slice %arg3[%add3A_4] : memref<276480xi32, #tpu.memory_space<hbm>> -> memref<960xi32, #tpu.memory_space<hbm>>
      tpu.wait_dma2 semaphore(%run_scoped3A : memref<!tpu.dma_semaphore, #tpu.memory_space<semaphore_mem>>) src(%dma_wait3A_26 : memref<960xi32, #tpu.memory_space<hbm>>) dst(%arg14 : memref<960xi32, #tpu.memory_space<vmem>>)
      tpu.yield
    }) : () -> ()
    %add3A_5 = arith.constant 30720 : i32
    %add3A_6 = arith.addi %add3A_5, %mul3A_2 : i32
    "tpu.region"() ({
      %run_scoped3A = tpu.sem_alloc : memref<!tpu.dma_semaphore, #tpu.memory_space<semaphore_mem>>
      %dma_start3A = tpu.memref_slice %arg3[%add3A_6] : memref<276480xi32, #tpu.memory_space<hbm>> -> memref<960xi32, #tpu.memory_space<hbm>>
      %dma_start3A_25 = tpu.memref_slice %arg3[%add3A_6] : memref<276480xi32, #tpu.memory_space<hbm>> -> memref<960xi32, #tpu.memory_space<hbm>>
      tpu.enqueue_dma source(%dma_start3A_25 : memref<960xi32, #tpu.memory_space<hbm>>) target(%arg15 : memref<960xi32, #tpu.memory_space<vmem>>) target_semaphore(%run_scoped3A : memref<!tpu.dma_semaphore, #tpu.memory_space<semaphore_mem>>)
      %dma_wait3A = tpu.memref_slice %arg3[%add3A_6] : memref<276480xi32, #tpu.memory_space<hbm>> -> memref<960xi32, #tpu.memory_space<hbm>>
      %dma_wait3A_26 = tpu.memref_slice %arg3[%add3A_6] : memref<276480xi32, #tpu.memory_space<hbm>> -> memref<960xi32, #tpu.memory_space<hbm>>
      tpu.wait_dma2 semaphore(%run_scoped3A : memref<!tpu.dma_semaphore, #tpu.memory_space<semaphore_mem>>) src(%dma_wait3A_26 : memref<960xi32, #tpu.memory_space<hbm>>) dst(%arg15 : memref<960xi32, #tpu.memory_space<vmem>>)
      tpu.yield
    }) : () -> ()
    %add3A_7 = arith.constant 61440 : i32
    %add3A_8 = arith.addi %add3A_7, %mul3A_2 : i32
    "tpu.region"() ({
      %run_scoped3A = tpu.sem_alloc : memref<!tpu.dma_semaphore, #tpu.memory_space<semaphore_mem>>
      %dma_start3A = tpu.memref_slice %arg3[%add3A_8] : memref<276480xi32, #tpu.memory_space<hbm>> -> memref<960xi32, #tpu.memory_space<hbm>>
      %dma_start3A_25 = tpu.memref_slice %arg3[%add3A_8] : memref<276480xi32, #tpu.memory_space<hbm>> -> memref<960xi32, #tpu.memory_space<hbm>>
      tpu.enqueue_dma source(%dma_start3A_25 : memref<960xi32, #tpu.memory_space<hbm>>) target(%arg16 : memref<960xi32, #tpu.memory_space<vmem>>) target_semaphore(%run_scoped3A : memref<!tpu.dma_semaphore, #tpu.memory_space<semaphore_mem>>)
      %dma_wait3A = tpu.memref_slice %arg3[%add3A_8] : memref<276480xi32, #tpu.memory_space<hbm>> -> memref<960xi32, #tpu.memory_space<hbm>>
      %dma_wait3A_26 = tpu.memref_slice %arg3[%add3A_8] : memref<276480xi32, #tpu.memory_space<hbm>> -> memref<960xi32, #tpu.memory_space<hbm>>
      tpu.wait_dma2 semaphore(%run_scoped3A : memref<!tpu.dma_semaphore, #tpu.memory_space<semaphore_mem>>) src(%dma_wait3A_26 : memref<960xi32, #tpu.memory_space<hbm>>) dst(%arg16 : memref<960xi32, #tpu.memory_space<vmem>>)
      tpu.yield
    }) : () -> ()
    %add3A_9 = arith.constant 92160 : i32
    %add3A_10 = arith.addi %add3A_9, %mul3A_2 : i32
    "tpu.region"() ({
      %run_scoped3A = tpu.sem_alloc : memref<!tpu.dma_semaphore, #tpu.memory_space<semaphore_mem>>
      %dma_start3A = tpu.memref_slice %arg3[%add3A_10] : memref<276480xi32, #tpu.memory_space<hbm>> -> memref<960xi32, #tpu.memory_space<hbm>>
      %dma_start3A_25 = tpu.memref_slice %arg3[%add3A_10] : memref<276480xi32, #tpu.memory_space<hbm>> -> memref<960xi32, #tpu.memory_space<hbm>>
      tpu.enqueue_dma source(%dma_start3A_25 : memref<960xi32, #tpu.memory_space<hbm>>) target(%arg17 : memref<960xi32, #tpu.memory_space<vmem>>) target_semaphore(%run_scoped3A : memref<!tpu.dma_semaphore, #tpu.memory_space<semaphore_mem>>)
      %dma_wait3A = tpu.memref_slice %arg3[%add3A_10] : memref<276480xi32, #tpu.memory_space<hbm>> -> memref<960xi32, #tpu.memory_space<hbm>>
      %dma_wait3A_26 = tpu.memref_slice %arg3[%add3A_10] : memref<276480xi32, #tpu.memory_space<hbm>> -> memref<960xi32, #tpu.memory_space<hbm>>
      tpu.wait_dma2 semaphore(%run_scoped3A : memref<!tpu.dma_semaphore, #tpu.memory_space<semaphore_mem>>) src(%dma_wait3A_26 : memref<960xi32, #tpu.memory_space<hbm>>) dst(%arg17 : memref<960xi32, #tpu.memory_space<vmem>>)
      tpu.yield
    }) : () -> ()
    %add3A_11 = arith.constant 122880 : i32
    %add3A_12 = arith.addi %add3A_11, %mul3A_2 : i32
    "tpu.region"() ({
      %run_scoped3A = tpu.sem_alloc : memref<!tpu.dma_semaphore, #tpu.memory_space<semaphore_mem>>
      %dma_start3A = tpu.memref_slice %arg3[%add3A_12] : memref<276480xi32, #tpu.memory_space<hbm>> -> memref<960xi32, #tpu.memory_space<hbm>>
      %dma_start3A_25 = tpu.memref_slice %arg3[%add3A_12] : memref<276480xi32, #tpu.memory_space<hbm>> -> memref<960xi32, #tpu.memory_space<hbm>>
      tpu.enqueue_dma source(%dma_start3A_25 : memref<960xi32, #tpu.memory_space<hbm>>) target(%arg18 : memref<960xi32, #tpu.memory_space<vmem>>) target_semaphore(%run_scoped3A : memref<!tpu.dma_semaphore, #tpu.memory_space<semaphore_mem>>)
      %dma_wait3A = tpu.memref_slice %arg3[%add3A_12] : memref<276480xi32, #tpu.memory_space<hbm>> -> memref<960xi32, #tpu.memory_space<hbm>>
      %dma_wait3A_26 = tpu.memref_slice %arg3[%add3A_12] : memref<276480xi32, #tpu.memory_space<hbm>> -> memref<960xi32, #tpu.memory_space<hbm>>
      tpu.wait_dma2 semaphore(%run_scoped3A : memref<!tpu.dma_semaphore, #tpu.memory_space<semaphore_mem>>) src(%dma_wait3A_26 : memref<960xi32, #tpu.memory_space<hbm>>) dst(%arg18 : memref<960xi32, #tpu.memory_space<vmem>>)
      tpu.yield
    }) : () -> ()
    %add3A_13 = arith.constant 153600 : i32
    %add3A_14 = arith.addi %add3A_13, %mul3A_2 : i32
    "tpu.region"() ({
      %run_scoped3A = tpu.sem_alloc : memref<!tpu.dma_semaphore, #tpu.memory_space<semaphore_mem>>
      %dma_start3A = tpu.memref_slice %arg3[%add3A_14] : memref<276480xi32, #tpu.memory_space<hbm>> -> memref<960xi32, #tpu.memory_space<hbm>>
      %dma_start3A_25 = tpu.memref_slice %arg3[%add3A_14] : memref<276480xi32, #tpu.memory_space<hbm>> -> memref<960xi32, #tpu.memory_space<hbm>>
      tpu.enqueue_dma source(%dma_start3A_25 : memref<960xi32, #tpu.memory_space<hbm>>) target(%arg19 : memref<960xi32, #tpu.memory_space<vmem>>) target_semaphore(%run_scoped3A : memref<!tpu.dma_semaphore, #tpu.memory_space<semaphore_mem>>)
      %dma_wait3A = tpu.memref_slice %arg3[%add3A_14] : memref<276480xi32, #tpu.memory_space<hbm>> -> memref<960xi32, #tpu.memory_space<hbm>>
      %dma_wait3A_26 = tpu.memref_slice %arg3[%add3A_14] : memref<276480xi32, #tpu.memory_space<hbm>> -> memref<960xi32, #tpu.memory_space<hbm>>
      tpu.wait_dma2 semaphore(%run_scoped3A : memref<!tpu.dma_semaphore, #tpu.memory_space<semaphore_mem>>) src(%dma_wait3A_26 : memref<960xi32, #tpu.memory_space<hbm>>) dst(%arg19 : memref<960xi32, #tpu.memory_space<vmem>>)
      tpu.yield
    }) : () -> ()
    %add3A_15 = arith.constant 184320 : i32
    %add3A_16 = arith.addi %add3A_15, %mul3A_2 : i32
    "tpu.region"() ({
      %run_scoped3A = tpu.sem_alloc : memref<!tpu.dma_semaphore, #tpu.memory_space<semaphore_mem>>
      %dma_start3A = tpu.memref_slice %arg3[%add3A_16] : memref<276480xi32, #tpu.memory_space<hbm>> -> memref<960xi32, #tpu.memory_space<hbm>>
      %dma_start3A_25 = tpu.memref_slice %arg3[%add3A_16] : memref<276480xi32, #tpu.memory_space<hbm>> -> memref<960xi32, #tpu.memory_space<hbm>>
      tpu.enqueue_dma source(%dma_start3A_25 : memref<960xi32, #tpu.memory_space<hbm>>) target(%arg20 : memref<960xi32, #tpu.memory_space<vmem>>) target_semaphore(%run_scoped3A : memref<!tpu.dma_semaphore, #tpu.memory_space<semaphore_mem>>)
      %dma_wait3A = tpu.memref_slice %arg3[%add3A_16] : memref<276480xi32, #tpu.memory_space<hbm>> -> memref<960xi32, #tpu.memory_space<hbm>>
      %dma_wait3A_26 = tpu.memref_slice %arg3[%add3A_16] : memref<276480xi32, #tpu.memory_space<hbm>> -> memref<960xi32, #tpu.memory_space<hbm>>
      tpu.wait_dma2 semaphore(%run_scoped3A : memref<!tpu.dma_semaphore, #tpu.memory_space<semaphore_mem>>) src(%dma_wait3A_26 : memref<960xi32, #tpu.memory_space<hbm>>) dst(%arg20 : memref<960xi32, #tpu.memory_space<vmem>>)
      tpu.yield
    }) : () -> ()
    %add3A_17 = arith.constant 215040 : i32
    %add3A_18 = arith.addi %add3A_17, %mul3A_2 : i32
    "tpu.region"() ({
      %run_scoped3A = tpu.sem_alloc : memref<!tpu.dma_semaphore, #tpu.memory_space<semaphore_mem>>
      %dma_start3A = tpu.memref_slice %arg3[%add3A_18] : memref<276480xi32, #tpu.memory_space<hbm>> -> memref<960xi32, #tpu.memory_space<hbm>>
      %dma_start3A_25 = tpu.memref_slice %arg3[%add3A_18] : memref<276480xi32, #tpu.memory_space<hbm>> -> memref<960xi32, #tpu.memory_space<hbm>>
      tpu.enqueue_dma source(%dma_start3A_25 : memref<960xi32, #tpu.memory_space<hbm>>) target(%arg21 : memref<960xi32, #tpu.memory_space<vmem>>) target_semaphore(%run_scoped3A : memref<!tpu.dma_semaphore, #tpu.memory_space<semaphore_mem>>)
      %dma_wait3A = tpu.memref_slice %arg3[%add3A_18] : memref<276480xi32, #tpu.memory_space<hbm>> -> memref<960xi32, #tpu.memory_space<hbm>>
      %dma_wait3A_26 = tpu.memref_slice %arg3[%add3A_18] : memref<276480xi32, #tpu.memory_space<hbm>> -> memref<960xi32, #tpu.memory_space<hbm>>
      tpu.wait_dma2 semaphore(%run_scoped3A : memref<!tpu.dma_semaphore, #tpu.memory_space<semaphore_mem>>) src(%dma_wait3A_26 : memref<960xi32, #tpu.memory_space<hbm>>) dst(%arg21 : memref<960xi32, #tpu.memory_space<vmem>>)
      tpu.yield
    }) : () -> ()
    %add3A_19 = arith.constant 245760 : i32
    %add3A_20 = arith.addi %add3A_19, %mul3A_2 : i32
    "tpu.region"() ({
      %run_scoped3A = tpu.sem_alloc : memref<!tpu.dma_semaphore, #tpu.memory_space<semaphore_mem>>
      %dma_start3A = tpu.memref_slice %arg3[%add3A_20] : memref<276480xi32, #tpu.memory_space<hbm>> -> memref<960xi32, #tpu.memory_space<hbm>>
      %dma_start3A_25 = tpu.memref_slice %arg3[%add3A_20] : memref<276480xi32, #tpu.memory_space<hbm>> -> memref<960xi32, #tpu.memory_space<hbm>>
      tpu.enqueue_dma source(%dma_start3A_25 : memref<960xi32, #tpu.memory_space<hbm>>) target(%arg22 : memref<960xi32, #tpu.memory_space<vmem>>) target_semaphore(%run_scoped3A : memref<!tpu.dma_semaphore, #tpu.memory_space<semaphore_mem>>)
      %dma_wait3A = tpu.memref_slice %arg3[%add3A_20] : memref<276480xi32, #tpu.memory_space<hbm>> -> memref<960xi32, #tpu.memory_space<hbm>>
      %dma_wait3A_26 = tpu.memref_slice %arg3[%add3A_20] : memref<276480xi32, #tpu.memory_space<hbm>> -> memref<960xi32, #tpu.memory_space<hbm>>
      tpu.wait_dma2 semaphore(%run_scoped3A : memref<!tpu.dma_semaphore, #tpu.memory_space<semaphore_mem>>) src(%dma_wait3A_26 : memref<960xi32, #tpu.memory_space<hbm>>) dst(%arg22 : memref<960xi32, #tpu.memory_space<vmem>>)
      tpu.yield
    }) : () -> ()
    %scan3A = arith.constant 0 : i32
    %scan3A_21 = arith.constant 15 : i32
    %scan3A_22 = arith.addi %scan3A, %scan3A_21 : i32
    %scan3A_23 = arith.constant 1 : i32
    scf.for %scan3A_25 = %scan3A to %scan3A_22 step %scan3A_23  : i32 {
      %mul3A_26 = arith.constant 1 : i32
      %mul3A_27 = arith.muli %scan3A_25, %mul3A_26 : i32
      %add3A_28 = arith.constant 0 : i32
      %add3A_29 = arith.addi %add3A_28, %mul3A_27 : i32
      %mul3A_30 = arith.constant 64 : i32
      %mul3A_31 = arith.muli %add3A_29, %mul3A_30 : i32
      %dma_start3A = tpu.memref_slice %arg14[%mul3A_31] : memref<960xi32, #tpu.memory_space<vmem>> -> memref<64xi32, #tpu.memory_space<vmem>>
      %dma_start3A_32 = arith.constant 0 : i32
      %dma_start3A_33 = arith.constant 0 : i32
      %dma_start3A_34 = tpu.memref_slice %arg2[%dma_start3A_32, %dma_start3A_33] : memref<50000x128xf32, #tpu.memory_space<hbm>> -> memref<50000x128xf32, #tpu.memory_space<hbm>>
      tpu.enqueue_indirect_dma source(%dma_start3A_34 : memref<50000x128xf32, #tpu.memory_space<hbm>>) target(%arg5 : memref<64x128xf32, #tpu.memory_space<vmem>>) offsets(%dma_start3A : memref<64xi32, #tpu.memory_space<vmem>>) semaphore(%arg23 : memref<!tpu.dma_semaphore, #tpu.memory_space<semaphore_mem>>)
      %mul3A_35 = arith.constant 64 : i32
      %mul3A_36 = arith.muli %add3A_29, %mul3A_35 : i32
      %dma_start3A_37 = tpu.memref_slice %arg15[%mul3A_36] : memref<960xi32, #tpu.memory_space<vmem>> -> memref<64xi32, #tpu.memory_space<vmem>>
      %dma_start3A_38 = arith.constant 0 : i32
      %dma_start3A_39 = arith.constant 0 : i32
      %dma_start3A_40 = tpu.memref_slice %arg2[%dma_start3A_38, %dma_start3A_39] : memref<50000x128xf32, #tpu.memory_space<hbm>> -> memref<50000x128xf32, #tpu.memory_space<hbm>>
      tpu.enqueue_indirect_dma source(%dma_start3A_40 : memref<50000x128xf32, #tpu.memory_space<hbm>>) target(%arg6 : memref<64x128xf32, #tpu.memory_space<vmem>>) offsets(%dma_start3A_37 : memref<64xi32, #tpu.memory_space<vmem>>) semaphore(%arg24 : memref<!tpu.dma_semaphore, #tpu.memory_space<semaphore_mem>>)
      %mul3A_41 = arith.constant 64 : i32
      %mul3A_42 = arith.muli %add3A_29, %mul3A_41 : i32
      %dma_start3A_43 = tpu.memref_slice %arg16[%mul3A_42] : memref<960xi32, #tpu.memory_space<vmem>> -> memref<64xi32, #tpu.memory_space<vmem>>
      %dma_start3A_44 = arith.constant 0 : i32
      %dma_start3A_45 = arith.constant 0 : i32
      %dma_start3A_46 = tpu.memref_slice %arg2[%dma_start3A_44, %dma_start3A_45] : memref<50000x128xf32, #tpu.memory_space<hbm>> -> memref<50000x128xf32, #tpu.memory_space<hbm>>
      tpu.enqueue_indirect_dma source(%dma_start3A_46 : memref<50000x128xf32, #tpu.memory_space<hbm>>) target(%arg7 : memref<64x128xf32, #tpu.memory_space<vmem>>) offsets(%dma_start3A_43 : memref<64xi32, #tpu.memory_space<vmem>>) semaphore(%arg25 : memref<!tpu.dma_semaphore, #tpu.memory_space<semaphore_mem>>)
      %mul3A_47 = arith.constant 64 : i32
      %mul3A_48 = arith.muli %add3A_29, %mul3A_47 : i32
      %dma_start3A_49 = tpu.memref_slice %arg17[%mul3A_48] : memref<960xi32, #tpu.memory_space<vmem>> -> memref<64xi32, #tpu.memory_space<vmem>>
      %dma_start3A_50 = arith.constant 0 : i32
      %dma_start3A_51 = arith.constant 0 : i32
      %dma_start3A_52 = tpu.memref_slice %arg2[%dma_start3A_50, %dma_start3A_51] : memref<50000x128xf32, #tpu.memory_space<hbm>> -> memref<50000x128xf32, #tpu.memory_space<hbm>>
      tpu.enqueue_indirect_dma source(%dma_start3A_52 : memref<50000x128xf32, #tpu.memory_space<hbm>>) target(%arg8 : memref<64x128xf32, #tpu.memory_space<vmem>>) offsets(%dma_start3A_49 : memref<64xi32, #tpu.memory_space<vmem>>) semaphore(%arg26 : memref<!tpu.dma_semaphore, #tpu.memory_space<semaphore_mem>>)
      %mul3A_53 = arith.constant 64 : i32
      %mul3A_54 = arith.muli %add3A_29, %mul3A_53 : i32
      %dma_start3A_55 = tpu.memref_slice %arg18[%mul3A_54] : memref<960xi32, #tpu.memory_space<vmem>> -> memref<64xi32, #tpu.memory_space<vmem>>
      %dma_start3A_56 = arith.constant 0 : i32
      %dma_start3A_57 = arith.constant 0 : i32
      %dma_start3A_58 = tpu.memref_slice %arg2[%dma_start3A_56, %dma_start3A_57] : memref<50000x128xf32, #tpu.memory_space<hbm>> -> memref<50000x128xf32, #tpu.memory_space<hbm>>
      tpu.enqueue_indirect_dma source(%dma_start3A_58 : memref<50000x128xf32, #tpu.memory_space<hbm>>) target(%arg9 : memref<64x128xf32, #tpu.memory_space<vmem>>) offsets(%dma_start3A_55 : memref<64xi32, #tpu.memory_space<vmem>>) semaphore(%arg27 : memref<!tpu.dma_semaphore, #tpu.memory_space<semaphore_mem>>)
      %mul3A_59 = arith.constant 64 : i32
      %mul3A_60 = arith.muli %add3A_29, %mul3A_59 : i32
      %dma_start3A_61 = tpu.memref_slice %arg19[%mul3A_60] : memref<960xi32, #tpu.memory_space<vmem>> -> memref<64xi32, #tpu.memory_space<vmem>>
      %dma_start3A_62 = arith.constant 0 : i32
      %dma_start3A_63 = arith.constant 0 : i32
      %dma_start3A_64 = tpu.memref_slice %arg2[%dma_start3A_62, %dma_start3A_63] : memref<50000x128xf32, #tpu.memory_space<hbm>> -> memref<50000x128xf32, #tpu.memory_space<hbm>>
      tpu.enqueue_indirect_dma source(%dma_start3A_64 : memref<50000x128xf32, #tpu.memory_space<hbm>>) target(%arg10 : memref<64x128xf32, #tpu.memory_space<vmem>>) offsets(%dma_start3A_61 : memref<64xi32, #tpu.memory_space<vmem>>) semaphore(%arg28 : memref<!tpu.dma_semaphore, #tpu.memory_space<semaphore_mem>>)
      %mul3A_65 = arith.constant 64 : i32
      %mul3A_66 = arith.muli %add3A_29, %mul3A_65 : i32
      %dma_start3A_67 = tpu.memref_slice %arg20[%mul3A_66] : memref<960xi32, #tpu.memory_space<vmem>> -> memref<64xi32, #tpu.memory_space<vmem>>
      %dma_start3A_68 = arith.constant 0 : i32
      %dma_start3A_69 = arith.constant 0 : i32
      %dma_start3A_70 = tpu.memref_slice %arg2[%dma_start3A_68, %dma_start3A_69] : memref<50000x128xf32, #tpu.memory_space<hbm>> -> memref<50000x128xf32, #tpu.memory_space<hbm>>
      tpu.enqueue_indirect_dma source(%dma_start3A_70 : memref<50000x128xf32, #tpu.memory_space<hbm>>) target(%arg11 : memref<64x128xf32, #tpu.memory_space<vmem>>) offsets(%dma_start3A_67 : memref<64xi32, #tpu.memory_space<vmem>>) semaphore(%arg29 : memref<!tpu.dma_semaphore, #tpu.memory_space<semaphore_mem>>)
      %mul3A_71 = arith.constant 64 : i32
      %mul3A_72 = arith.muli %add3A_29, %mul3A_71 : i32
      %dma_start3A_73 = tpu.memref_slice %arg21[%mul3A_72] : memref<960xi32, #tpu.memory_space<vmem>> -> memref<64xi32, #tpu.memory_space<vmem>>
      %dma_start3A_74 = arith.constant 0 : i32
      %dma_start3A_75 = arith.constant 0 : i32
      %dma_start3A_76 = tpu.memref_slice %arg2[%dma_start3A_74, %dma_start3A_75] : memref<50000x128xf32, #tpu.memory_space<hbm>> -> memref<50000x128xf32, #tpu.memory_space<hbm>>
      tpu.enqueue_indirect_dma source(%dma_start3A_76 : memref<50000x128xf32, #tpu.memory_space<hbm>>) target(%arg12 : memref<64x128xf32, #tpu.memory_space<vmem>>) offsets(%dma_start3A_73 : memref<64xi32, #tpu.memory_space<vmem>>) semaphore(%arg30 : memref<!tpu.dma_semaphore, #tpu.memory_space<semaphore_mem>>)
      %mul3A_77 = arith.constant 64 : i32
      %mul3A_78 = arith.muli %add3A_29, %mul3A_77 : i32
      %dma_start3A_79 = tpu.memref_slice %arg22[%mul3A_78] : memref<960xi32, #tpu.memory_space<vmem>> -> memref<64xi32, #tpu.memory_space<vmem>>
      %dma_start3A_80 = arith.constant 0 : i32
      %dma_start3A_81 = arith.constant 0 : i32
      %dma_start3A_82 = tpu.memref_slice %arg2[%dma_start3A_80, %dma_start3A_81] : memref<50000x128xf32, #tpu.memory_space<hbm>> -> memref<50000x128xf32, #tpu.memory_space<hbm>>
      tpu.enqueue_indirect_dma source(%dma_start3A_82 : memref<50000x128xf32, #tpu.memory_space<hbm>>) target(%arg13 : memref<64x128xf32, #tpu.memory_space<vmem>>) offsets(%dma_start3A_79 : memref<64xi32, #tpu.memory_space<vmem>>) semaphore(%arg31 : memref<!tpu.dma_semaphore, #tpu.memory_space<semaphore_mem>>)
      %dma_wait3A = tpu.memref_slice %arg14[%mul3A_31] : memref<960xi32, #tpu.memory_space<vmem>> -> memref<64xi32, #tpu.memory_space<vmem>>
      %dma_wait3A_83 = arith.constant 0 : i32
      %dma_wait3A_84 = arith.constant 0 : i32
      %dma_wait3A_85 = tpu.memref_slice %arg2[%dma_wait3A_83, %dma_wait3A_84] : memref<50000x128xf32, #tpu.memory_space<hbm>> -> memref<50000x128xf32, #tpu.memory_space<hbm>>
      tpu.wait_indirect_dma semaphore(%arg23 : memref<!tpu.dma_semaphore, #tpu.memory_space<semaphore_mem>>) src(%dma_wait3A_85 : memref<50000x128xf32, #tpu.memory_space<hbm>>) dst(%arg5 : memref<64x128xf32, #tpu.memory_space<vmem>>)
      %dma_wait3A_86 = tpu.memref_slice %arg15[%mul3A_36] : memref<960xi32, #tpu.memory_space<vmem>> -> memref<64xi32, #tpu.memory_space<vmem>>
      %dma_wait3A_87 = arith.constant 0 : i32
      %dma_wait3A_88 = arith.constant 0 : i32
      %dma_wait3A_89 = tpu.memref_slice %arg2[%dma_wait3A_87, %dma_wait3A_88] : memref<50000x128xf32, #tpu.memory_space<hbm>> -> memref<50000x128xf32, #tpu.memory_space<hbm>>
      tpu.wait_indirect_dma semaphore(%arg24 : memref<!tpu.dma_semaphore, #tpu.memory_space<semaphore_mem>>) src(%dma_wait3A_89 : memref<50000x128xf32, #tpu.memory_space<hbm>>) dst(%arg6 : memref<64x128xf32, #tpu.memory_space<vmem>>)
      %dma_wait3A_90 = tpu.memref_slice %arg16[%mul3A_42] : memref<960xi32, #tpu.memory_space<vmem>> -> memref<64xi32, #tpu.memory_space<vmem>>
      %dma_wait3A_91 = arith.constant 0 : i32
      %dma_wait3A_92 = arith.constant 0 : i32
      %dma_wait3A_93 = tpu.memref_slice %arg2[%dma_wait3A_91, %dma_wait3A_92] : memref<50000x128xf32, #tpu.memory_space<hbm>> -> memref<50000x128xf32, #tpu.memory_space<hbm>>
      tpu.wait_indirect_dma semaphore(%arg25 : memref<!tpu.dma_semaphore, #tpu.memory_space<semaphore_mem>>) src(%dma_wait3A_93 : memref<50000x128xf32, #tpu.memory_space<hbm>>) dst(%arg7 : memref<64x128xf32, #tpu.memory_space<vmem>>)
      %dma_wait3A_94 = tpu.memref_slice %arg17[%mul3A_48] : memref<960xi32, #tpu.memory_space<vmem>> -> memref<64xi32, #tpu.memory_space<vmem>>
      %dma_wait3A_95 = arith.constant 0 : i32
      %dma_wait3A_96 = arith.constant 0 : i32
      %dma_wait3A_97 = tpu.memref_slice %arg2[%dma_wait3A_95, %dma_wait3A_96] : memref<50000x128xf32, #tpu.memory_space<hbm>> -> memref<50000x128xf32, #tpu.memory_space<hbm>>
      tpu.wait_indirect_dma semaphore(%arg26 : memref<!tpu.dma_semaphore, #tpu.memory_space<semaphore_mem>>) src(%dma_wait3A_97 : memref<50000x128xf32, #tpu.memory_space<hbm>>) dst(%arg8 : memref<64x128xf32, #tpu.memory_space<vmem>>)
      %dma_wait3A_98 = tpu.memref_slice %arg18[%mul3A_54] : memref<960xi32, #tpu.memory_space<vmem>> -> memref<64xi32, #tpu.memory_space<vmem>>
      %dma_wait3A_99 = arith.constant 0 : i32
      %dma_wait3A_100 = arith.constant 0 : i32
      %dma_wait3A_101 = tpu.memref_slice %arg2[%dma_wait3A_99, %dma_wait3A_100] : memref<50000x128xf32, #tpu.memory_space<hbm>> -> memref<50000x128xf32, #tpu.memory_space<hbm>>
      tpu.wait_indirect_dma semaphore(%arg27 : memref<!tpu.dma_semaphore, #tpu.memory_space<semaphore_mem>>) src(%dma_wait3A_101 : memref<50000x128xf32, #tpu.memory_space<hbm>>) dst(%arg9 : memref<64x128xf32, #tpu.memory_space<vmem>>)
      %dma_wait3A_102 = tpu.memref_slice %arg19[%mul3A_60] : memref<960xi32, #tpu.memory_space<vmem>> -> memref<64xi32, #tpu.memory_space<vmem>>
      %dma_wait3A_103 = arith.constant 0 : i32
      %dma_wait3A_104 = arith.constant 0 : i32
      %dma_wait3A_105 = tpu.memref_slice %arg2[%dma_wait3A_103, %dma_wait3A_104] : memref<50000x128xf32, #tpu.memory_space<hbm>> -> memref<50000x128xf32, #tpu.memory_space<hbm>>
      tpu.wait_indirect_dma semaphore(%arg28 : memref<!tpu.dma_semaphore, #tpu.memory_space<semaphore_mem>>) src(%dma_wait3A_105 : memref<50000x128xf32, #tpu.memory_space<hbm>>) dst(%arg10 : memref<64x128xf32, #tpu.memory_space<vmem>>)
      %dma_wait3A_106 = tpu.memref_slice %arg20[%mul3A_66] : memref<960xi32, #tpu.memory_space<vmem>> -> memref<64xi32, #tpu.memory_space<vmem>>
      %dma_wait3A_107 = arith.constant 0 : i32
      %dma_wait3A_108 = arith.constant 0 : i32
      %dma_wait3A_109 = tpu.memref_slice %arg2[%dma_wait3A_107, %dma_wait3A_108] : memref<50000x128xf32, #tpu.memory_space<hbm>> -> memref<50000x128xf32, #tpu.memory_space<hbm>>
      tpu.wait_indirect_dma semaphore(%arg29 : memref<!tpu.dma_semaphore, #tpu.memory_space<semaphore_mem>>) src(%dma_wait3A_109 : memref<50000x128xf32, #tpu.memory_space<hbm>>) dst(%arg11 : memref<64x128xf32, #tpu.memory_space<vmem>>)
      %dma_wait3A_110 = tpu.memref_slice %arg21[%mul3A_72] : memref<960xi32, #tpu.memory_space<vmem>> -> memref<64xi32, #tpu.memory_space<vmem>>
      %dma_wait3A_111 = arith.constant 0 : i32
      %dma_wait3A_112 = arith.constant 0 : i32
      %dma_wait3A_113 = tpu.memref_slice %arg2[%dma_wait3A_111, %dma_wait3A_112] : memref<50000x128xf32, #tpu.memory_space<hbm>> -> memref<50000x128xf32, #tpu.memory_space<hbm>>
      tpu.wait_indirect_dma semaphore(%arg30 : memref<!tpu.dma_semaphore, #tpu.memory_space<semaphore_mem>>) src(%dma_wait3A_113 : memref<50000x128xf32, #tpu.memory_space<hbm>>) dst(%arg12 : memref<64x128xf32, #tpu.memory_space<vmem>>)
      %dma_wait3A_114 = tpu.memref_slice %arg22[%mul3A_78] : memref<960xi32, #tpu.memory_space<vmem>> -> memref<64xi32, #tpu.memory_space<vmem>>
      %dma_wait3A_115 = arith.constant 0 : i32
      %dma_wait3A_116 = arith.constant 0 : i32
      %dma_wait3A_117 = tpu.memref_slice %arg2[%dma_wait3A_115, %dma_wait3A_116] : memref<50000x128xf32, #tpu.memory_space<hbm>> -> memref<50000x128xf32, #tpu.memory_space<hbm>>
      tpu.wait_indirect_dma semaphore(%arg31 : memref<!tpu.dma_semaphore, #tpu.memory_space<semaphore_mem>>) src(%dma_wait3A_117 : memref<50000x128xf32, #tpu.memory_space<hbm>>) dst(%arg13 : memref<64x128xf32, #tpu.memory_space<vmem>>)
      %add3A_118 = arith.constant 0 : i32
      %add3A_119 = arith.addi %add3A_118, %mul3A_2 : i32
      %mul3A_120 = arith.constant 64 : i32
      %mul3A_121 = arith.muli %add3A_29, %mul3A_120 : i32
      %add3A_122 = arith.addi %add3A_119, %mul3A_121 : i32
      "tpu.region"() ({
        %run_scoped3A = tpu.sem_alloc : memref<!tpu.dma_semaphore, #tpu.memory_space<semaphore_mem>>
        %dma_start3A_163 = arith.constant 0 : i32
        %dma_start3A_164 = tpu.memref_slice %arg4[%add3A_122, %dma_start3A_163] : memref<276480x128xf32, #tpu.memory_space<hbm>> -> memref<64x128xf32, #tpu.memory_space<hbm>>
        %dma_start3A_165 = arith.constant 0 : i32
        %dma_start3A_166 = tpu.memref_slice %arg4[%add3A_122, %dma_start3A_165] : memref<276480x128xf32, #tpu.memory_space<hbm>> -> memref<64x128xf32, #tpu.memory_space<hbm>>
        tpu.enqueue_dma source(%arg5 : memref<64x128xf32, #tpu.memory_space<vmem>>) target(%dma_start3A_166 : memref<64x128xf32, #tpu.memory_space<hbm>>) target_semaphore(%run_scoped3A : memref<!tpu.dma_semaphore, #tpu.memory_space<semaphore_mem>>)
        %dma_wait3A_167 = arith.constant 0 : i32
        %dma_wait3A_168 = tpu.memref_slice %arg4[%add3A_122, %dma_wait3A_167] : memref<276480x128xf32, #tpu.memory_space<hbm>> -> memref<64x128xf32, #tpu.memory_space<hbm>>
        %dma_wait3A_169 = arith.constant 0 : i32
        %dma_wait3A_170 = tpu.memref_slice %arg4[%add3A_122, %dma_wait3A_169] : memref<276480x128xf32, #tpu.memory_space<hbm>> -> memref<64x128xf32, #tpu.memory_space<hbm>>
        tpu.wait_dma2 semaphore(%run_scoped3A : memref<!tpu.dma_semaphore, #tpu.memory_space<semaphore_mem>>) src(%arg5 : memref<64x128xf32, #tpu.memory_space<vmem>>) dst(%dma_wait3A_170 : memref<64x128xf32, #tpu.memory_space<hbm>>)
        tpu.yield
      }) : () -> ()
      %add3A_123 = arith.constant 30720 : i32
      %add3A_124 = arith.addi %add3A_123, %mul3A_2 : i32
      %mul3A_125 = arith.constant 64 : i32
      %mul3A_126 = arith.muli %add3A_29, %mul3A_125 : i32
      %add3A_127 = arith.addi %add3A_124, %mul3A_126 : i32
      "tpu.region"() ({
        %run_scoped3A = tpu.sem_alloc : memref<!tpu.dma_semaphore, #tpu.memory_space<semaphore_mem>>
        %dma_start3A_163 = arith.constant 0 : i32
        %dma_start3A_164 = tpu.memref_slice %arg4[%add3A_127, %dma_start3A_163] : memref<276480x128xf32, #tpu.memory_space<hbm>> -> memref<64x128xf32, #tpu.memory_space<hbm>>
        %dma_start3A_165 = arith.constant 0 : i32
        %dma_start3A_166 = tpu.memref_slice %arg4[%add3A_127, %dma_start3A_165] : memref<276480x128xf32, #tpu.memory_space<hbm>> -> memref<64x128xf32, #tpu.memory_space<hbm>>
        tpu.enqueue_dma source(%arg6 : memref<64x128xf32, #tpu.memory_space<vmem>>) target(%dma_start3A_166 : memref<64x128xf32, #tpu.memory_space<hbm>>) target_semaphore(%run_scoped3A : memref<!tpu.dma_semaphore, #tpu.memory_space<semaphore_mem>>)
        %dma_wait3A_167 = arith.constant 0 : i32
        %dma_wait3A_168 = tpu.memref_slice %arg4[%add3A_127, %dma_wait3A_167] : memref<276480x128xf32, #tpu.memory_space<hbm>> -> memref<64x128xf32, #tpu.memory_space<hbm>>
        %dma_wait3A_169 = arith.constant 0 : i32
        %dma_wait3A_170 = tpu.memref_slice %arg4[%add3A_127, %dma_wait3A_169] : memref<276480x128xf32, #tpu.memory_space<hbm>> -> memref<64x128xf32, #tpu.memory_space<hbm>>
        tpu.wait_dma2 semaphore(%run_scoped3A : memref<!tpu.dma_semaphore, #tpu.memory_space<semaphore_mem>>) src(%arg6 : memref<64x128xf32, #tpu.memory_space<vmem>>) dst(%dma_wait3A_170 : memref<64x128xf32, #tpu.memory_space<hbm>>)
        tpu.yield
      }) : () -> ()
      %add3A_128 = arith.constant 61440 : i32
      %add3A_129 = arith.addi %add3A_128, %mul3A_2 : i32
      %mul3A_130 = arith.constant 64 : i32
      %mul3A_131 = arith.muli %add3A_29, %mul3A_130 : i32
      %add3A_132 = arith.addi %add3A_129, %mul3A_131 : i32
      "tpu.region"() ({
        %run_scoped3A = tpu.sem_alloc : memref<!tpu.dma_semaphore, #tpu.memory_space<semaphore_mem>>
        %dma_start3A_163 = arith.constant 0 : i32
        %dma_start3A_164 = tpu.memref_slice %arg4[%add3A_132, %dma_start3A_163] : memref<276480x128xf32, #tpu.memory_space<hbm>> -> memref<64x128xf32, #tpu.memory_space<hbm>>
        %dma_start3A_165 = arith.constant 0 : i32
        %dma_start3A_166 = tpu.memref_slice %arg4[%add3A_132, %dma_start3A_165] : memref<276480x128xf32, #tpu.memory_space<hbm>> -> memref<64x128xf32, #tpu.memory_space<hbm>>
        tpu.enqueue_dma source(%arg7 : memref<64x128xf32, #tpu.memory_space<vmem>>) target(%dma_start3A_166 : memref<64x128xf32, #tpu.memory_space<hbm>>) target_semaphore(%run_scoped3A : memref<!tpu.dma_semaphore, #tpu.memory_space<semaphore_mem>>)
        %dma_wait3A_167 = arith.constant 0 : i32
        %dma_wait3A_168 = tpu.memref_slice %arg4[%add3A_132, %dma_wait3A_167] : memref<276480x128xf32, #tpu.memory_space<hbm>> -> memref<64x128xf32, #tpu.memory_space<hbm>>
        %dma_wait3A_169 = arith.constant 0 : i32
        %dma_wait3A_170 = tpu.memref_slice %arg4[%add3A_132, %dma_wait3A_169] : memref<276480x128xf32, #tpu.memory_space<hbm>> -> memref<64x128xf32, #tpu.memory_space<hbm>>
        tpu.wait_dma2 semaphore(%run_scoped3A : memref<!tpu.dma_semaphore, #tpu.memory_space<semaphore_mem>>) src(%arg7 : memref<64x128xf32, #tpu.memory_space<vmem>>) dst(%dma_wait3A_170 : memref<64x128xf32, #tpu.memory_space<hbm>>)
        tpu.yield
      }) : () -> ()
      %add3A_133 = arith.constant 92160 : i32
      %add3A_134 = arith.addi %add3A_133, %mul3A_2 : i32
      %mul3A_135 = arith.constant 64 : i32
      %mul3A_136 = arith.muli %add3A_29, %mul3A_135 : i32
      %add3A_137 = arith.addi %add3A_134, %mul3A_136 : i32
      "tpu.region"() ({
        %run_scoped3A = tpu.sem_alloc : memref<!tpu.dma_semaphore, #tpu.memory_space<semaphore_mem>>
        %dma_start3A_163 = arith.constant 0 : i32
        %dma_start3A_164 = tpu.memref_slice %arg4[%add3A_137, %dma_start3A_163] : memref<276480x128xf32, #tpu.memory_space<hbm>> -> memref<64x128xf32, #tpu.memory_space<hbm>>
        %dma_start3A_165 = arith.constant 0 : i32
        %dma_start3A_166 = tpu.memref_slice %arg4[%add3A_137, %dma_start3A_165] : memref<276480x128xf32, #tpu.memory_space<hbm>> -> memref<64x128xf32, #tpu.memory_space<hbm>>
        tpu.enqueue_dma source(%arg8 : memref<64x128xf32, #tpu.memory_space<vmem>>) target(%dma_start3A_166 : memref<64x128xf32, #tpu.memory_space<hbm>>) target_semaphore(%run_scoped3A : memref<!tpu.dma_semaphore, #tpu.memory_space<semaphore_mem>>)
        %dma_wait3A_167 = arith.constant 0 : i32
        %dma_wait3A_168 = tpu.memref_slice %arg4[%add3A_137, %dma_wait3A_167] : memref<276480x128xf32, #tpu.memory_space<hbm>> -> memref<64x128xf32, #tpu.memory_space<hbm>>
        %dma_wait3A_169 = arith.constant 0 : i32
        %dma_wait3A_170 = tpu.memref_slice %arg4[%add3A_137, %dma_wait3A_169] : memref<276480x128xf32, #tpu.memory_space<hbm>> -> memref<64x128xf32, #tpu.memory_space<hbm>>
        tpu.wait_dma2 semaphore(%run_scoped3A : memref<!tpu.dma_semaphore, #tpu.memory_space<semaphore_mem>>) src(%arg8 : memref<64x128xf32, #tpu.memory_space<vmem>>) dst(%dma_wait3A_170 : memref<64x128xf32, #tpu.memory_space<hbm>>)
        tpu.yield
      }) : () -> ()
      %add3A_138 = arith.constant 122880 : i32
      %add3A_139 = arith.addi %add3A_138, %mul3A_2 : i32
      %mul3A_140 = arith.constant 64 : i32
      %mul3A_141 = arith.muli %add3A_29, %mul3A_140 : i32
      %add3A_142 = arith.addi %add3A_139, %mul3A_141 : i32
      "tpu.region"() ({
        %run_scoped3A = tpu.sem_alloc : memref<!tpu.dma_semaphore, #tpu.memory_space<semaphore_mem>>
        %dma_start3A_163 = arith.constant 0 : i32
        %dma_start3A_164 = tpu.memref_slice %arg4[%add3A_142, %dma_start3A_163] : memref<276480x128xf32, #tpu.memory_space<hbm>> -> memref<64x128xf32, #tpu.memory_space<hbm>>
        %dma_start3A_165 = arith.constant 0 : i32
        %dma_start3A_166 = tpu.memref_slice %arg4[%add3A_142, %dma_start3A_165] : memref<276480x128xf32, #tpu.memory_space<hbm>> -> memref<64x128xf32, #tpu.memory_space<hbm>>
        tpu.enqueue_dma source(%arg9 : memref<64x128xf32, #tpu.memory_space<vmem>>) target(%dma_start3A_166 : memref<64x128xf32, #tpu.memory_space<hbm>>) target_semaphore(%run_scoped3A : memref<!tpu.dma_semaphore, #tpu.memory_space<semaphore_mem>>)
        %dma_wait3A_167 = arith.constant 0 : i32
        %dma_wait3A_168 = tpu.memref_slice %arg4[%add3A_142, %dma_wait3A_167] : memref<276480x128xf32, #tpu.memory_space<hbm>> -> memref<64x128xf32, #tpu.memory_space<hbm>>
        %dma_wait3A_169 = arith.constant 0 : i32
        %dma_wait3A_170 = tpu.memref_slice %arg4[%add3A_142, %dma_wait3A_169] : memref<276480x128xf32, #tpu.memory_space<hbm>> -> memref<64x128xf32, #tpu.memory_space<hbm>>
        tpu.wait_dma2 semaphore(%run_scoped3A : memref<!tpu.dma_semaphore, #tpu.memory_space<semaphore_mem>>) src(%arg9 : memref<64x128xf32, #tpu.memory_space<vmem>>) dst(%dma_wait3A_170 : memref<64x128xf32, #tpu.memory_space<hbm>>)
        tpu.yield
      }) : () -> ()
      %add3A_143 = arith.constant 153600 : i32
      %add3A_144 = arith.addi %add3A_143, %mul3A_2 : i32
      %mul3A_145 = arith.constant 64 : i32
      %mul3A_146 = arith.muli %add3A_29, %mul3A_145 : i32
      %add3A_147 = arith.addi %add3A_144, %mul3A_146 : i32
      "tpu.region"() ({
        %run_scoped3A = tpu.sem_alloc : memref<!tpu.dma_semaphore, #tpu.memory_space<semaphore_mem>>
        %dma_start3A_163 = arith.constant 0 : i32
        %dma_start3A_164 = tpu.memref_slice %arg4[%add3A_147, %dma_start3A_163] : memref<276480x128xf32, #tpu.memory_space<hbm>> -> memref<64x128xf32, #tpu.memory_space<hbm>>
        %dma_start3A_165 = arith.constant 0 : i32
        %dma_start3A_166 = tpu.memref_slice %arg4[%add3A_147, %dma_start3A_165] : memref<276480x128xf32, #tpu.memory_space<hbm>> -> memref<64x128xf32, #tpu.memory_space<hbm>>
        tpu.enqueue_dma source(%arg10 : memref<64x128xf32, #tpu.memory_space<vmem>>) target(%dma_start3A_166 : memref<64x128xf32, #tpu.memory_space<hbm>>) target_semaphore(%run_scoped3A : memref<!tpu.dma_semaphore, #tpu.memory_space<semaphore_mem>>)
        %dma_wait3A_167 = arith.constant 0 : i32
        %dma_wait3A_168 = tpu.memref_slice %arg4[%add3A_147, %dma_wait3A_167] : memref<276480x128xf32, #tpu.memory_space<hbm>> -> memref<64x128xf32, #tpu.memory_space<hbm>>
        %dma_wait3A_169 = arith.constant 0 : i32
        %dma_wait3A_170 = tpu.memref_slice %arg4[%add3A_147, %dma_wait3A_169] : memref<276480x128xf32, #tpu.memory_space<hbm>> -> memref<64x128xf32, #tpu.memory_space<hbm>>
        tpu.wait_dma2 semaphore(%run_scoped3A : memref<!tpu.dma_semaphore, #tpu.memory_space<semaphore_mem>>) src(%arg10 : memref<64x128xf32, #tpu.memory_space<vmem>>) dst(%dma_wait3A_170 : memref<64x128xf32, #tpu.memory_space<hbm>>)
        tpu.yield
      }) : () -> ()
      %add3A_148 = arith.constant 184320 : i32
      %add3A_149 = arith.addi %add3A_148, %mul3A_2 : i32
      %mul3A_150 = arith.constant 64 : i32
      %mul3A_151 = arith.muli %add3A_29, %mul3A_150 : i32
      %add3A_152 = arith.addi %add3A_149, %mul3A_151 : i32
      "tpu.region"() ({
        %run_scoped3A = tpu.sem_alloc : memref<!tpu.dma_semaphore, #tpu.memory_space<semaphore_mem>>
        %dma_start3A_163 = arith.constant 0 : i32
        %dma_start3A_164 = tpu.memref_slice %arg4[%add3A_152, %dma_start3A_163] : memref<276480x128xf32, #tpu.memory_space<hbm>> -> memref<64x128xf32, #tpu.memory_space<hbm>>
        %dma_start3A_165 = arith.constant 0 : i32
        %dma_start3A_166 = tpu.memref_slice %arg4[%add3A_152, %dma_start3A_165] : memref<276480x128xf32, #tpu.memory_space<hbm>> -> memref<64x128xf32, #tpu.memory_space<hbm>>
        tpu.enqueue_dma source(%arg11 : memref<64x128xf32, #tpu.memory_space<vmem>>) target(%dma_start3A_166 : memref<64x128xf32, #tpu.memory_space<hbm>>) target_semaphore(%run_scoped3A : memref<!tpu.dma_semaphore, #tpu.memory_space<semaphore_mem>>)
        %dma_wait3A_167 = arith.constant 0 : i32
        %dma_wait3A_168 = tpu.memref_slice %arg4[%add3A_152, %dma_wait3A_167] : memref<276480x128xf32, #tpu.memory_space<hbm>> -> memref<64x128xf32, #tpu.memory_space<hbm>>
        %dma_wait3A_169 = arith.constant 0 : i32
        %dma_wait3A_170 = tpu.memref_slice %arg4[%add3A_152, %dma_wait3A_169] : memref<276480x128xf32, #tpu.memory_space<hbm>> -> memref<64x128xf32, #tpu.memory_space<hbm>>
        tpu.wait_dma2 semaphore(%run_scoped3A : memref<!tpu.dma_semaphore, #tpu.memory_space<semaphore_mem>>) src(%arg11 : memref<64x128xf32, #tpu.memory_space<vmem>>) dst(%dma_wait3A_170 : memref<64x128xf32, #tpu.memory_space<hbm>>)
        tpu.yield
      }) : () -> ()
      %add3A_153 = arith.constant 215040 : i32
      %add3A_154 = arith.addi %add3A_153, %mul3A_2 : i32
      %mul3A_155 = arith.constant 64 : i32
      %mul3A_156 = arith.muli %add3A_29, %mul3A_155 : i32
      %add3A_157 = arith.addi %add3A_154, %mul3A_156 : i32
      "tpu.region"() ({
        %run_scoped3A = tpu.sem_alloc : memref<!tpu.dma_semaphore, #tpu.memory_space<semaphore_mem>>
        %dma_start3A_163 = arith.constant 0 : i32
        %dma_start3A_164 = tpu.memref_slice %arg4[%add3A_157, %dma_start3A_163] : memref<276480x128xf32, #tpu.memory_space<hbm>> -> memref<64x128xf32, #tpu.memory_space<hbm>>
        %dma_start3A_165 = arith.constant 0 : i32
        %dma_start3A_166 = tpu.memref_slice %arg4[%add3A_157, %dma_start3A_165] : memref<276480x128xf32, #tpu.memory_space<hbm>> -> memref<64x128xf32, #tpu.memory_space<hbm>>
        tpu.enqueue_dma source(%arg12 : memref<64x128xf32, #tpu.memory_space<vmem>>) target(%dma_start3A_166 : memref<64x128xf32, #tpu.memory_space<hbm>>) target_semaphore(%run_scoped3A : memref<!tpu.dma_semaphore, #tpu.memory_space<semaphore_mem>>)
        %dma_wait3A_167 = arith.constant 0 : i32
        %dma_wait3A_168 = tpu.memref_slice %arg4[%add3A_157, %dma_wait3A_167] : memref<276480x128xf32, #tpu.memory_space<hbm>> -> memref<64x128xf32, #tpu.memory_space<hbm>>
        %dma_wait3A_169 = arith.constant 0 : i32
        %dma_wait3A_170 = tpu.memref_slice %arg4[%add3A_157, %dma_wait3A_169] : memref<276480x128xf32, #tpu.memory_space<hbm>> -> memref<64x128xf32, #tpu.memory_space<hbm>>
        tpu.wait_dma2 semaphore(%run_scoped3A : memref<!tpu.dma_semaphore, #tpu.memory_space<semaphore_mem>>) src(%arg12 : memref<64x128xf32, #tpu.memory_space<vmem>>) dst(%dma_wait3A_170 : memref<64x128xf32, #tpu.memory_space<hbm>>)
        tpu.yield
      }) : () -> ()
      %add3A_158 = arith.constant 245760 : i32
      %add3A_159 = arith.addi %add3A_158, %mul3A_2 : i32
      %mul3A_160 = arith.constant 64 : i32
      %mul3A_161 = arith.muli %add3A_29, %mul3A_160 : i32
      %add3A_162 = arith.addi %add3A_159, %mul3A_161 : i32
      "tpu.region"() ({
        %run_scoped3A = tpu.sem_alloc : memref<!tpu.dma_semaphore, #tpu.memory_space<semaphore_mem>>
        %dma_start3A_163 = arith.constant 0 : i32
        %dma_start3A_164 = tpu.memref_slice %arg4[%add3A_162, %dma_start3A_163] : memref<276480x128xf32, #tpu.memory_space<hbm>> -> memref<64x128xf32, #tpu.memory_space<hbm>>
        %dma_start3A_165 = arith.constant 0 : i32
        %dma_start3A_166 = tpu.memref_slice %arg4[%add3A_162, %dma_start3A_165] : memref<276480x128xf32, #tpu.memory_space<hbm>> -> memref<64x128xf32, #tpu.memory_space<hbm>>
        tpu.enqueue_dma source(%arg13 : memref<64x128xf32, #tpu.memory_space<vmem>>) target(%dma_start3A_166 : memref<64x128xf32, #tpu.memory_space<hbm>>) target_semaphore(%run_scoped3A : memref<!tpu.dma_semaphore, #tpu.memory_space<semaphore_mem>>)
        %dma_wait3A_167 = arith.constant 0 : i32
        %dma_wait3A_168 = tpu.memref_slice %arg4[%add3A_162, %dma_wait3A_167] : memref<276480x128xf32, #tpu.memory_space<hbm>> -> memref<64x128xf32, #tpu.memory_space<hbm>>
        %dma_wait3A_169 = arith.constant 0 : i32
        %dma_wait3A_170 = tpu.memref_slice %arg4[%add3A_162, %dma_wait3A_169] : memref<276480x128xf32, #tpu.memory_space<hbm>> -> memref<64x128xf32, #tpu.memory_space<hbm>>
        tpu.wait_dma2 semaphore(%run_scoped3A : memref<!tpu.dma_semaphore, #tpu.memory_space<semaphore_mem>>) src(%arg13 : memref<64x128xf32, #tpu.memory_space<vmem>>) dst(%dma_wait3A_170 : memref<64x128xf32, #tpu.memory_space<hbm>>)
        tpu.yield
      }) : () -> ()
    }
    %scan3A_24 = arith.constant 15 : i32
    return
  }
}

module attributes {stable_mosaic.version = 14 : i64} {
  func.func @_tc_body(%arg0: i32, %arg1: memref<1x256x9xi32, #tpu.memory_space<smem>>, %arg2: memref<50000x128xf32, #tpu.memory_space<vmem>>, %arg3: memref<1152x128xf32, #tpu.memory_space<vmem>>, %arg4: memref<1x128xf32, #tpu.memory_space<vmem>>, %arg5: memref<256x128xf32, #tpu.memory_space<vmem>>, %arg6: memref<256x1152xf32, #tpu.memory_space<vmem>>) attributes {dimension_semantics = [#tpu.dimension_semantics<arbitrary>], iteration_bounds = array<i64: 76>, scalar_prefetch = 0 : i64, scratch_operands = 1 : i64, tpu.core_type = #tpu.core_type<tc>, window_params = [{transform_indices = @transform_0, window_bounds = array<i64: 1, 256, 9>}, {pipeline_mode = #tpu.pipeline_mode<synchronous>, transform_indices = @transform_1, window_bounds = array<i64: 50000, 128>}, {pipeline_mode = #tpu.pipeline_mode<synchronous>, transform_indices = @transform_2, window_bounds = array<i64: 1152, 128>}, {pipeline_mode = #tpu.pipeline_mode<synchronous>, transform_indices = @transform_3, window_bounds = array<i64: 1, 128>}, {transform_indices = @transform_4, window_bounds = array<i64: 256, 128>}]} {
    %scan3A = arith.constant 0 : i32
    %scan3A_0 = arith.constant 32 : i32
    %scan3A_1 = arith.addi %scan3A, %scan3A_0 : i32
    %scan3A_2 = arith.constant 2 : i32
    scf.for %scan3A_16 = %scan3A to %scan3A_1 step %scan3A_2  : i32 {
      %mul3A = arith.constant 8 : i32
      %mul3A_17 = arith.muli %scan3A_16, %mul3A : i32
      %add3A_18 = arith.constant 0 : i32
      %add3A_19 = arith.addi %mul3A_17, %add3A_18 : i32
      %get3A_20 = arith.constant 0 : index
      %get3A_21 = arith.index_cast %add3A_19 : i32 to index
      %get3A_22 = arith.constant 0 : index
      %get3A_23 = memref.load %arg1[%get3A_20, %get3A_21, %get3A_22] : memref<1x256x9xi32, #tpu.memory_space<smem>>
      %get3A_24 = arith.index_cast %get3A_23 : i32 to index
      %get3A_25 = arith.constant 0 : index
      %get3A_26 = vector.load %arg2[%get3A_24, %get3A_25] : memref<50000x128xf32, #tpu.memory_space<vmem>>, vector<1x128xf32>
      %add3A_27 = arith.constant 1 : i32
      %add3A_28 = arith.addi %mul3A_17, %add3A_27 : i32
      %get3A_29 = arith.constant 0 : index
      %get3A_30 = arith.index_cast %add3A_28 : i32 to index
      %get3A_31 = arith.constant 0 : index
      %get3A_32 = memref.load %arg1[%get3A_29, %get3A_30, %get3A_31] : memref<1x256x9xi32, #tpu.memory_space<smem>>
      %get3A_33 = arith.index_cast %get3A_32 : i32 to index
      %get3A_34 = arith.constant 0 : index
      %get3A_35 = vector.load %arg2[%get3A_33, %get3A_34] : memref<50000x128xf32, #tpu.memory_space<vmem>>, vector<1x128xf32>
      %add3A_36 = arith.constant 2 : i32
      %add3A_37 = arith.addi %mul3A_17, %add3A_36 : i32
      %get3A_38 = arith.constant 0 : index
      %get3A_39 = arith.index_cast %add3A_37 : i32 to index
      %get3A_40 = arith.constant 0 : index
      %get3A_41 = memref.load %arg1[%get3A_38, %get3A_39, %get3A_40] : memref<1x256x9xi32, #tpu.memory_space<smem>>
      %get3A_42 = arith.index_cast %get3A_41 : i32 to index
      %get3A_43 = arith.constant 0 : index
      %get3A_44 = vector.load %arg2[%get3A_42, %get3A_43] : memref<50000x128xf32, #tpu.memory_space<vmem>>, vector<1x128xf32>
      %add3A_45 = arith.constant 3 : i32
      %add3A_46 = arith.addi %mul3A_17, %add3A_45 : i32
      %get3A_47 = arith.constant 0 : index
      %get3A_48 = arith.index_cast %add3A_46 : i32 to index
      %get3A_49 = arith.constant 0 : index
      %get3A_50 = memref.load %arg1[%get3A_47, %get3A_48, %get3A_49] : memref<1x256x9xi32, #tpu.memory_space<smem>>
      %get3A_51 = arith.index_cast %get3A_50 : i32 to index
      %get3A_52 = arith.constant 0 : index
      %get3A_53 = vector.load %arg2[%get3A_51, %get3A_52] : memref<50000x128xf32, #tpu.memory_space<vmem>>, vector<1x128xf32>
      %add3A_54 = arith.constant 4 : i32
      %add3A_55 = arith.addi %mul3A_17, %add3A_54 : i32
      %get3A_56 = arith.constant 0 : index
      %get3A_57 = arith.index_cast %add3A_55 : i32 to index
      %get3A_58 = arith.constant 0 : index
      %get3A_59 = memref.load %arg1[%get3A_56, %get3A_57, %get3A_58] : memref<1x256x9xi32, #tpu.memory_space<smem>>
      %get3A_60 = arith.index_cast %get3A_59 : i32 to index
      %get3A_61 = arith.constant 0 : index
      %get3A_62 = vector.load %arg2[%get3A_60, %get3A_61] : memref<50000x128xf32, #tpu.memory_space<vmem>>, vector<1x128xf32>
      %add3A_63 = arith.constant 5 : i32
      %add3A_64 = arith.addi %mul3A_17, %add3A_63 : i32
      %get3A_65 = arith.constant 0 : index
      %get3A_66 = arith.index_cast %add3A_64 : i32 to index
      %get3A_67 = arith.constant 0 : index
      %get3A_68 = memref.load %arg1[%get3A_65, %get3A_66, %get3A_67] : memref<1x256x9xi32, #tpu.memory_space<smem>>
      %get3A_69 = arith.index_cast %get3A_68 : i32 to index
      %get3A_70 = arith.constant 0 : index
      %get3A_71 = vector.load %arg2[%get3A_69, %get3A_70] : memref<50000x128xf32, #tpu.memory_space<vmem>>, vector<1x128xf32>
      %add3A_72 = arith.constant 6 : i32
      %add3A_73 = arith.addi %mul3A_17, %add3A_72 : i32
      %get3A_74 = arith.constant 0 : index
      %get3A_75 = arith.index_cast %add3A_73 : i32 to index
      %get3A_76 = arith.constant 0 : index
      %get3A_77 = memref.load %arg1[%get3A_74, %get3A_75, %get3A_76] : memref<1x256x9xi32, #tpu.memory_space<smem>>
      %get3A_78 = arith.index_cast %get3A_77 : i32 to index
      %get3A_79 = arith.constant 0 : index
      %get3A_80 = vector.load %arg2[%get3A_78, %get3A_79] : memref<50000x128xf32, #tpu.memory_space<vmem>>, vector<1x128xf32>
      %add3A_81 = arith.constant 7 : i32
      %add3A_82 = arith.addi %mul3A_17, %add3A_81 : i32
      %get3A_83 = arith.constant 0 : index
      %get3A_84 = arith.index_cast %add3A_82 : i32 to index
      %get3A_85 = arith.constant 0 : index
      %get3A_86 = memref.load %arg1[%get3A_83, %get3A_84, %get3A_85] : memref<1x256x9xi32, #tpu.memory_space<smem>>
      %get3A_87 = arith.index_cast %get3A_86 : i32 to index
      %get3A_88 = arith.constant 0 : index
      %get3A_89 = vector.load %arg2[%get3A_87, %get3A_88] : memref<50000x128xf32, #tpu.memory_space<vmem>>, vector<1x128xf32>
      %concatenate3A = tpu.concatenate %get3A_26, %get3A_35, %get3A_44, %get3A_53, %get3A_62, %get3A_71, %get3A_80, %get3A_89 in 0 : vector<1x128xf32>, vector<1x128xf32>, vector<1x128xf32>, vector<1x128xf32>, vector<1x128xf32>, vector<1x128xf32>, vector<1x128xf32>, vector<1x128xf32> -> vector<8x128xf32>
      %swap3A_90 = arith.index_cast %mul3A_17 : i32 to index
      %swap3A_91 = arith.constant 0 : index
      %swap3A_92 = vector.load %arg6[%swap3A_90, %swap3A_91] : memref<256x1152xf32, #tpu.memory_space<vmem>>, vector<8x128xf32>
      tpu.vector_store %arg6[%swap3A_90, %swap3A_91], %concatenate3A {strides = array<i32>} : memref<256x1152xf32, #tpu.memory_space<vmem>>, vector<8x128xf32>,
      %add3A_93 = arith.constant 0 : i32
      %add3A_94 = arith.addi %mul3A_17, %add3A_93 : i32
      %get3A_95 = arith.constant 0 : index
      %get3A_96 = arith.index_cast %add3A_94 : i32 to index
      %get3A_97 = arith.constant 1 : index
      %get3A_98 = memref.load %arg1[%get3A_95, %get3A_96, %get3A_97] : memref<1x256x9xi32, #tpu.memory_space<smem>>
      %get3A_99 = arith.index_cast %get3A_98 : i32 to index
      %get3A_100 = arith.constant 0 : index
      %get3A_101 = vector.load %arg2[%get3A_99, %get3A_100] : memref<50000x128xf32, #tpu.memory_space<vmem>>, vector<1x128xf32>
      %add3A_102 = arith.constant 1 : i32
      %add3A_103 = arith.addi %mul3A_17, %add3A_102 : i32
      %get3A_104 = arith.constant 0 : index
      %get3A_105 = arith.index_cast %add3A_103 : i32 to index
      %get3A_106 = arith.constant 1 : index
      %get3A_107 = memref.load %arg1[%get3A_104, %get3A_105, %get3A_106] : memref<1x256x9xi32, #tpu.memory_space<smem>>
      %get3A_108 = arith.index_cast %get3A_107 : i32 to index
      %get3A_109 = arith.constant 0 : index
      %get3A_110 = vector.load %arg2[%get3A_108, %get3A_109] : memref<50000x128xf32, #tpu.memory_space<vmem>>, vector<1x128xf32>
      %add3A_111 = arith.constant 2 : i32
      %add3A_112 = arith.addi %mul3A_17, %add3A_111 : i32
      %get3A_113 = arith.constant 0 : index
      %get3A_114 = arith.index_cast %add3A_112 : i32 to index
      %get3A_115 = arith.constant 1 : index
      %get3A_116 = memref.load %arg1[%get3A_113, %get3A_114, %get3A_115] : memref<1x256x9xi32, #tpu.memory_space<smem>>
      %get3A_117 = arith.index_cast %get3A_116 : i32 to index
      %get3A_118 = arith.constant 0 : index
      %get3A_119 = vector.load %arg2[%get3A_117, %get3A_118] : memref<50000x128xf32, #tpu.memory_space<vmem>>, vector<1x128xf32>
      %add3A_120 = arith.constant 3 : i32
      %add3A_121 = arith.addi %mul3A_17, %add3A_120 : i32
      %get3A_122 = arith.constant 0 : index
      %get3A_123 = arith.index_cast %add3A_121 : i32 to index
      %get3A_124 = arith.constant 1 : index
      %get3A_125 = memref.load %arg1[%get3A_122, %get3A_123, %get3A_124] : memref<1x256x9xi32, #tpu.memory_space<smem>>
      %get3A_126 = arith.index_cast %get3A_125 : i32 to index
      %get3A_127 = arith.constant 0 : index
      %get3A_128 = vector.load %arg2[%get3A_126, %get3A_127] : memref<50000x128xf32, #tpu.memory_space<vmem>>, vector<1x128xf32>
      %add3A_129 = arith.constant 4 : i32
      %add3A_130 = arith.addi %mul3A_17, %add3A_129 : i32
      %get3A_131 = arith.constant 0 : index
      %get3A_132 = arith.index_cast %add3A_130 : i32 to index
      %get3A_133 = arith.constant 1 : index
      %get3A_134 = memref.load %arg1[%get3A_131, %get3A_132, %get3A_133] : memref<1x256x9xi32, #tpu.memory_space<smem>>
      %get3A_135 = arith.index_cast %get3A_134 : i32 to index
      %get3A_136 = arith.constant 0 : index
      %get3A_137 = vector.load %arg2[%get3A_135, %get3A_136] : memref<50000x128xf32, #tpu.memory_space<vmem>>, vector<1x128xf32>
      %add3A_138 = arith.constant 5 : i32
      %add3A_139 = arith.addi %mul3A_17, %add3A_138 : i32
      %get3A_140 = arith.constant 0 : index
      %get3A_141 = arith.index_cast %add3A_139 : i32 to index
      %get3A_142 = arith.constant 1 : index
      %get3A_143 = memref.load %arg1[%get3A_140, %get3A_141, %get3A_142] : memref<1x256x9xi32, #tpu.memory_space<smem>>
      %get3A_144 = arith.index_cast %get3A_143 : i32 to index
      %get3A_145 = arith.constant 0 : index
      %get3A_146 = vector.load %arg2[%get3A_144, %get3A_145] : memref<50000x128xf32, #tpu.memory_space<vmem>>, vector<1x128xf32>
      %add3A_147 = arith.constant 6 : i32
      %add3A_148 = arith.addi %mul3A_17, %add3A_147 : i32
      %get3A_149 = arith.constant 0 : index
      %get3A_150 = arith.index_cast %add3A_148 : i32 to index
      %get3A_151 = arith.constant 1 : index
      %get3A_152 = memref.load %arg1[%get3A_149, %get3A_150, %get3A_151] : memref<1x256x9xi32, #tpu.memory_space<smem>>
      %get3A_153 = arith.index_cast %get3A_152 : i32 to index
      %get3A_154 = arith.constant 0 : index
      %get3A_155 = vector.load %arg2[%get3A_153, %get3A_154] : memref<50000x128xf32, #tpu.memory_space<vmem>>, vector<1x128xf32>
      %add3A_156 = arith.constant 7 : i32
      %add3A_157 = arith.addi %mul3A_17, %add3A_156 : i32
      %get3A_158 = arith.constant 0 : index
      %get3A_159 = arith.index_cast %add3A_157 : i32 to index
      %get3A_160 = arith.constant 1 : index
      %get3A_161 = memref.load %arg1[%get3A_158, %get3A_159, %get3A_160] : memref<1x256x9xi32, #tpu.memory_space<smem>>
      %get3A_162 = arith.index_cast %get3A_161 : i32 to index
      %get3A_163 = arith.constant 0 : index
      %get3A_164 = vector.load %arg2[%get3A_162, %get3A_163] : memref<50000x128xf32, #tpu.memory_space<vmem>>, vector<1x128xf32>
      %concatenate3A_165 = tpu.concatenate %get3A_101, %get3A_110, %get3A_119, %get3A_128, %get3A_137, %get3A_146, %get3A_155, %get3A_164 in 0 : vector<1x128xf32>, vector<1x128xf32>, vector<1x128xf32>, vector<1x128xf32>, vector<1x128xf32>, vector<1x128xf32>, vector<1x128xf32>, vector<1x128xf32> -> vector<8x128xf32>
      %swap3A_166 = arith.index_cast %mul3A_17 : i32 to index
      %swap3A_167 = arith.constant 128 : index
      %swap3A_168 = vector.load %arg6[%swap3A_166, %swap3A_167] : memref<256x1152xf32, #tpu.memory_space<vmem>>, vector<8x128xf32>
      tpu.vector_store %arg6[%swap3A_166, %swap3A_167], %concatenate3A_165 {strides = array<i32>} : memref<256x1152xf32, #tpu.memory_space<vmem>>, vector<8x128xf32>,
      %add3A_169 = arith.constant 0 : i32
      %add3A_170 = arith.addi %mul3A_17, %add3A_169 : i32
      %get3A_171 = arith.constant 0 : index
      %get3A_172 = arith.index_cast %add3A_170 : i32 to index
      %get3A_173 = arith.constant 2 : index
      %get3A_174 = memref.load %arg1[%get3A_171, %get3A_172, %get3A_173] : memref<1x256x9xi32, #tpu.memory_space<smem>>
      %get3A_175 = arith.index_cast %get3A_174 : i32 to index
      %get3A_176 = arith.constant 0 : index
      %get3A_177 = vector.load %arg2[%get3A_175, %get3A_176] : memref<50000x128xf32, #tpu.memory_space<vmem>>, vector<1x128xf32>
      %add3A_178 = arith.constant 1 : i32
      %add3A_179 = arith.addi %mul3A_17, %add3A_178 : i32
      %get3A_180 = arith.constant 0 : index
      %get3A_181 = arith.index_cast %add3A_179 : i32 to index
      %get3A_182 = arith.constant 2 : index
      %get3A_183 = memref.load %arg1[%get3A_180, %get3A_181, %get3A_182] : memref<1x256x9xi32, #tpu.memory_space<smem>>
      %get3A_184 = arith.index_cast %get3A_183 : i32 to index
      %get3A_185 = arith.constant 0 : index
      %get3A_186 = vector.load %arg2[%get3A_184, %get3A_185] : memref<50000x128xf32, #tpu.memory_space<vmem>>, vector<1x128xf32>
      %add3A_187 = arith.constant 2 : i32
      %add3A_188 = arith.addi %mul3A_17, %add3A_187 : i32
      %get3A_189 = arith.constant 0 : index
      %get3A_190 = arith.index_cast %add3A_188 : i32 to index
      %get3A_191 = arith.constant 2 : index
      %get3A_192 = memref.load %arg1[%get3A_189, %get3A_190, %get3A_191] : memref<1x256x9xi32, #tpu.memory_space<smem>>
      %get3A_193 = arith.index_cast %get3A_192 : i32 to index
      %get3A_194 = arith.constant 0 : index
      %get3A_195 = vector.load %arg2[%get3A_193, %get3A_194] : memref<50000x128xf32, #tpu.memory_space<vmem>>, vector<1x128xf32>
      %add3A_196 = arith.constant 3 : i32
      %add3A_197 = arith.addi %mul3A_17, %add3A_196 : i32
      %get3A_198 = arith.constant 0 : index
      %get3A_199 = arith.index_cast %add3A_197 : i32 to index
      %get3A_200 = arith.constant 2 : index
      %get3A_201 = memref.load %arg1[%get3A_198, %get3A_199, %get3A_200] : memref<1x256x9xi32, #tpu.memory_space<smem>>
      %get3A_202 = arith.index_cast %get3A_201 : i32 to index
      %get3A_203 = arith.constant 0 : index
      %get3A_204 = vector.load %arg2[%get3A_202, %get3A_203] : memref<50000x128xf32, #tpu.memory_space<vmem>>, vector<1x128xf32>
      %add3A_205 = arith.constant 4 : i32
      %add3A_206 = arith.addi %mul3A_17, %add3A_205 : i32
      %get3A_207 = arith.constant 0 : index
      %get3A_208 = arith.index_cast %add3A_206 : i32 to index
      %get3A_209 = arith.constant 2 : index
      %get3A_210 = memref.load %arg1[%get3A_207, %get3A_208, %get3A_209] : memref<1x256x9xi32, #tpu.memory_space<smem>>
      %get3A_211 = arith.index_cast %get3A_210 : i32 to index
      %get3A_212 = arith.constant 0 : index
      %get3A_213 = vector.load %arg2[%get3A_211, %get3A_212] : memref<50000x128xf32, #tpu.memory_space<vmem>>, vector<1x128xf32>
      %add3A_214 = arith.constant 5 : i32
      %add3A_215 = arith.addi %mul3A_17, %add3A_214 : i32
      %get3A_216 = arith.constant 0 : index
      %get3A_217 = arith.index_cast %add3A_215 : i32 to index
      %get3A_218 = arith.constant 2 : index
      %get3A_219 = memref.load %arg1[%get3A_216, %get3A_217, %get3A_218] : memref<1x256x9xi32, #tpu.memory_space<smem>>
      %get3A_220 = arith.index_cast %get3A_219 : i32 to index
      %get3A_221 = arith.constant 0 : index
      %get3A_222 = vector.load %arg2[%get3A_220, %get3A_221] : memref<50000x128xf32, #tpu.memory_space<vmem>>, vector<1x128xf32>
      %add3A_223 = arith.constant 6 : i32
      %add3A_224 = arith.addi %mul3A_17, %add3A_223 : i32
      %get3A_225 = arith.constant 0 : index
      %get3A_226 = arith.index_cast %add3A_224 : i32 to index
      %get3A_227 = arith.constant 2 : index
      %get3A_228 = memref.load %arg1[%get3A_225, %get3A_226, %get3A_227] : memref<1x256x9xi32, #tpu.memory_space<smem>>
      %get3A_229 = arith.index_cast %get3A_228 : i32 to index
      %get3A_230 = arith.constant 0 : index
      %get3A_231 = vector.load %arg2[%get3A_229, %get3A_230] : memref<50000x128xf32, #tpu.memory_space<vmem>>, vector<1x128xf32>
      %add3A_232 = arith.constant 7 : i32
      %add3A_233 = arith.addi %mul3A_17, %add3A_232 : i32
      %get3A_234 = arith.constant 0 : index
      %get3A_235 = arith.index_cast %add3A_233 : i32 to index
      %get3A_236 = arith.constant 2 : index
      %get3A_237 = memref.load %arg1[%get3A_234, %get3A_235, %get3A_236] : memref<1x256x9xi32, #tpu.memory_space<smem>>
      %get3A_238 = arith.index_cast %get3A_237 : i32 to index
      %get3A_239 = arith.constant 0 : index
      %get3A_240 = vector.load %arg2[%get3A_238, %get3A_239] : memref<50000x128xf32, #tpu.memory_space<vmem>>, vector<1x128xf32>
      %concatenate3A_241 = tpu.concatenate %get3A_177, %get3A_186, %get3A_195, %get3A_204, %get3A_213, %get3A_222, %get3A_231, %get3A_240 in 0 : vector<1x128xf32>, vector<1x128xf32>, vector<1x128xf32>, vector<1x128xf32>, vector<1x128xf32>, vector<1x128xf32>, vector<1x128xf32>, vector<1x128xf32> -> vector<8x128xf32>
      %swap3A_242 = arith.index_cast %mul3A_17 : i32 to index
      %swap3A_243 = arith.constant 256 : index
      %swap3A_244 = vector.load %arg6[%swap3A_242, %swap3A_243] : memref<256x1152xf32, #tpu.memory_space<vmem>>, vector<8x128xf32>
      tpu.vector_store %arg6[%swap3A_242, %swap3A_243], %concatenate3A_241 {strides = array<i32>} : memref<256x1152xf32, #tpu.memory_space<vmem>>, vector<8x128xf32>,
      %add3A_245 = arith.constant 0 : i32
      %add3A_246 = arith.addi %mul3A_17, %add3A_245 : i32
      %get3A_247 = arith.constant 0 : index
      %get3A_248 = arith.index_cast %add3A_246 : i32 to index
      %get3A_249 = arith.constant 3 : index
      %get3A_250 = memref.load %arg1[%get3A_247, %get3A_248, %get3A_249] : memref<1x256x9xi32, #tpu.memory_space<smem>>
      %get3A_251 = arith.index_cast %get3A_250 : i32 to index
      %get3A_252 = arith.constant 0 : index
      %get3A_253 = vector.load %arg2[%get3A_251, %get3A_252] : memref<50000x128xf32, #tpu.memory_space<vmem>>, vector<1x128xf32>
      %add3A_254 = arith.constant 1 : i32
      %add3A_255 = arith.addi %mul3A_17, %add3A_254 : i32
      %get3A_256 = arith.constant 0 : index
      %get3A_257 = arith.index_cast %add3A_255 : i32 to index
      %get3A_258 = arith.constant 3 : index
      %get3A_259 = memref.load %arg1[%get3A_256, %get3A_257, %get3A_258] : memref<1x256x9xi32, #tpu.memory_space<smem>>
      %get3A_260 = arith.index_cast %get3A_259 : i32 to index
      %get3A_261 = arith.constant 0 : index
      %get3A_262 = vector.load %arg2[%get3A_260, %get3A_261] : memref<50000x128xf32, #tpu.memory_space<vmem>>, vector<1x128xf32>
      %add3A_263 = arith.constant 2 : i32
      %add3A_264 = arith.addi %mul3A_17, %add3A_263 : i32
      %get3A_265 = arith.constant 0 : index
      %get3A_266 = arith.index_cast %add3A_264 : i32 to index
      %get3A_267 = arith.constant 3 : index
      %get3A_268 = memref.load %arg1[%get3A_265, %get3A_266, %get3A_267] : memref<1x256x9xi32, #tpu.memory_space<smem>>
      %get3A_269 = arith.index_cast %get3A_268 : i32 to index
      %get3A_270 = arith.constant 0 : index
      %get3A_271 = vector.load %arg2[%get3A_269, %get3A_270] : memref<50000x128xf32, #tpu.memory_space<vmem>>, vector<1x128xf32>
      %add3A_272 = arith.constant 3 : i32
      %add3A_273 = arith.addi %mul3A_17, %add3A_272 : i32
      %get3A_274 = arith.constant 0 : index
      %get3A_275 = arith.index_cast %add3A_273 : i32 to index
      %get3A_276 = arith.constant 3 : index
      %get3A_277 = memref.load %arg1[%get3A_274, %get3A_275, %get3A_276] : memref<1x256x9xi32, #tpu.memory_space<smem>>
      %get3A_278 = arith.index_cast %get3A_277 : i32 to index
      %get3A_279 = arith.constant 0 : index
      %get3A_280 = vector.load %arg2[%get3A_278, %get3A_279] : memref<50000x128xf32, #tpu.memory_space<vmem>>, vector<1x128xf32>
      %add3A_281 = arith.constant 4 : i32
      %add3A_282 = arith.addi %mul3A_17, %add3A_281 : i32
      %get3A_283 = arith.constant 0 : index
      %get3A_284 = arith.index_cast %add3A_282 : i32 to index
      %get3A_285 = arith.constant 3 : index
      %get3A_286 = memref.load %arg1[%get3A_283, %get3A_284, %get3A_285] : memref<1x256x9xi32, #tpu.memory_space<smem>>
      %get3A_287 = arith.index_cast %get3A_286 : i32 to index
      %get3A_288 = arith.constant 0 : index
      %get3A_289 = vector.load %arg2[%get3A_287, %get3A_288] : memref<50000x128xf32, #tpu.memory_space<vmem>>, vector<1x128xf32>
      %add3A_290 = arith.constant 5 : i32
      %add3A_291 = arith.addi %mul3A_17, %add3A_290 : i32
      %get3A_292 = arith.constant 0 : index
      %get3A_293 = arith.index_cast %add3A_291 : i32 to index
      %get3A_294 = arith.constant 3 : index
      %get3A_295 = memref.load %arg1[%get3A_292, %get3A_293, %get3A_294] : memref<1x256x9xi32, #tpu.memory_space<smem>>
      %get3A_296 = arith.index_cast %get3A_295 : i32 to index
      %get3A_297 = arith.constant 0 : index
      %get3A_298 = vector.load %arg2[%get3A_296, %get3A_297] : memref<50000x128xf32, #tpu.memory_space<vmem>>, vector<1x128xf32>
      %add3A_299 = arith.constant 6 : i32
      %add3A_300 = arith.addi %mul3A_17, %add3A_299 : i32
      %get3A_301 = arith.constant 0 : index
      %get3A_302 = arith.index_cast %add3A_300 : i32 to index
      %get3A_303 = arith.constant 3 : index
      %get3A_304 = memref.load %arg1[%get3A_301, %get3A_302, %get3A_303] : memref<1x256x9xi32, #tpu.memory_space<smem>>
      %get3A_305 = arith.index_cast %get3A_304 : i32 to index
      %get3A_306 = arith.constant 0 : index
      %get3A_307 = vector.load %arg2[%get3A_305, %get3A_306] : memref<50000x128xf32, #tpu.memory_space<vmem>>, vector<1x128xf32>
      %add3A_308 = arith.constant 7 : i32
      %add3A_309 = arith.addi %mul3A_17, %add3A_308 : i32
      %get3A_310 = arith.constant 0 : index
      %get3A_311 = arith.index_cast %add3A_309 : i32 to index
      %get3A_312 = arith.constant 3 : index
      %get3A_313 = memref.load %arg1[%get3A_310, %get3A_311, %get3A_312] : memref<1x256x9xi32, #tpu.memory_space<smem>>
      %get3A_314 = arith.index_cast %get3A_313 : i32 to index
      %get3A_315 = arith.constant 0 : index
      %get3A_316 = vector.load %arg2[%get3A_314, %get3A_315] : memref<50000x128xf32, #tpu.memory_space<vmem>>, vector<1x128xf32>
      %concatenate3A_317 = tpu.concatenate %get3A_253, %get3A_262, %get3A_271, %get3A_280, %get3A_289, %get3A_298, %get3A_307, %get3A_316 in 0 : vector<1x128xf32>, vector<1x128xf32>, vector<1x128xf32>, vector<1x128xf32>, vector<1x128xf32>, vector<1x128xf32>, vector<1x128xf32>, vector<1x128xf32> -> vector<8x128xf32>
      %swap3A_318 = arith.index_cast %mul3A_17 : i32 to index
      %swap3A_319 = arith.constant 384 : index
      %swap3A_320 = vector.load %arg6[%swap3A_318, %swap3A_319] : memref<256x1152xf32, #tpu.memory_space<vmem>>, vector<8x128xf32>
      tpu.vector_store %arg6[%swap3A_318, %swap3A_319], %concatenate3A_317 {strides = array<i32>} : memref<256x1152xf32, #tpu.memory_space<vmem>>, vector<8x128xf32>,
      %add3A_321 = arith.constant 0 : i32
      %add3A_322 = arith.addi %mul3A_17, %add3A_321 : i32
      %get3A_323 = arith.constant 0 : index
      %get3A_324 = arith.index_cast %add3A_322 : i32 to index
      %get3A_325 = arith.constant 4 : index
      %get3A_326 = memref.load %arg1[%get3A_323, %get3A_324, %get3A_325] : memref<1x256x9xi32, #tpu.memory_space<smem>>
      %get3A_327 = arith.index_cast %get3A_326 : i32 to index
      %get3A_328 = arith.constant 0 : index
      %get3A_329 = vector.load %arg2[%get3A_327, %get3A_328] : memref<50000x128xf32, #tpu.memory_space<vmem>>, vector<1x128xf32>
      %add3A_330 = arith.constant 1 : i32
      %add3A_331 = arith.addi %mul3A_17, %add3A_330 : i32
      %get3A_332 = arith.constant 0 : index
      %get3A_333 = arith.index_cast %add3A_331 : i32 to index
      %get3A_334 = arith.constant 4 : index
      %get3A_335 = memref.load %arg1[%get3A_332, %get3A_333, %get3A_334] : memref<1x256x9xi32, #tpu.memory_space<smem>>
      %get3A_336 = arith.index_cast %get3A_335 : i32 to index
      %get3A_337 = arith.constant 0 : index
      %get3A_338 = vector.load %arg2[%get3A_336, %get3A_337] : memref<50000x128xf32, #tpu.memory_space<vmem>>, vector<1x128xf32>
      %add3A_339 = arith.constant 2 : i32
      %add3A_340 = arith.addi %mul3A_17, %add3A_339 : i32
      %get3A_341 = arith.constant 0 : index
      %get3A_342 = arith.index_cast %add3A_340 : i32 to index
      %get3A_343 = arith.constant 4 : index
      %get3A_344 = memref.load %arg1[%get3A_341, %get3A_342, %get3A_343] : memref<1x256x9xi32, #tpu.memory_space<smem>>
      %get3A_345 = arith.index_cast %get3A_344 : i32 to index
      %get3A_346 = arith.constant 0 : index
      %get3A_347 = vector.load %arg2[%get3A_345, %get3A_346] : memref<50000x128xf32, #tpu.memory_space<vmem>>, vector<1x128xf32>
      %add3A_348 = arith.constant 3 : i32
      %add3A_349 = arith.addi %mul3A_17, %add3A_348 : i32
      %get3A_350 = arith.constant 0 : index
      %get3A_351 = arith.index_cast %add3A_349 : i32 to index
      %get3A_352 = arith.constant 4 : index
      %get3A_353 = memref.load %arg1[%get3A_350, %get3A_351, %get3A_352] : memref<1x256x9xi32, #tpu.memory_space<smem>>
      %get3A_354 = arith.index_cast %get3A_353 : i32 to index
      %get3A_355 = arith.constant 0 : index
      %get3A_356 = vector.load %arg2[%get3A_354, %get3A_355] : memref<50000x128xf32, #tpu.memory_space<vmem>>, vector<1x128xf32>
      %add3A_357 = arith.constant 4 : i32
      %add3A_358 = arith.addi %mul3A_17, %add3A_357 : i32
      %get3A_359 = arith.constant 0 : index
      %get3A_360 = arith.index_cast %add3A_358 : i32 to index
      %get3A_361 = arith.constant 4 : index
      %get3A_362 = memref.load %arg1[%get3A_359, %get3A_360, %get3A_361] : memref<1x256x9xi32, #tpu.memory_space<smem>>
      %get3A_363 = arith.index_cast %get3A_362 : i32 to index
      %get3A_364 = arith.constant 0 : index
      %get3A_365 = vector.load %arg2[%get3A_363, %get3A_364] : memref<50000x128xf32, #tpu.memory_space<vmem>>, vector<1x128xf32>
      %add3A_366 = arith.constant 5 : i32
      %add3A_367 = arith.addi %mul3A_17, %add3A_366 : i32
      %get3A_368 = arith.constant 0 : index
      %get3A_369 = arith.index_cast %add3A_367 : i32 to index
      %get3A_370 = arith.constant 4 : index
      %get3A_371 = memref.load %arg1[%get3A_368, %get3A_369, %get3A_370] : memref<1x256x9xi32, #tpu.memory_space<smem>>
      %get3A_372 = arith.index_cast %get3A_371 : i32 to index
      %get3A_373 = arith.constant 0 : index
      %get3A_374 = vector.load %arg2[%get3A_372, %get3A_373] : memref<50000x128xf32, #tpu.memory_space<vmem>>, vector<1x128xf32>
      %add3A_375 = arith.constant 6 : i32
      %add3A_376 = arith.addi %mul3A_17, %add3A_375 : i32
      %get3A_377 = arith.constant 0 : index
      %get3A_378 = arith.index_cast %add3A_376 : i32 to index
      %get3A_379 = arith.constant 4 : index
      %get3A_380 = memref.load %arg1[%get3A_377, %get3A_378, %get3A_379] : memref<1x256x9xi32, #tpu.memory_space<smem>>
      %get3A_381 = arith.index_cast %get3A_380 : i32 to index
      %get3A_382 = arith.constant 0 : index
      %get3A_383 = vector.load %arg2[%get3A_381, %get3A_382] : memref<50000x128xf32, #tpu.memory_space<vmem>>, vector<1x128xf32>
      %add3A_384 = arith.constant 7 : i32
      %add3A_385 = arith.addi %mul3A_17, %add3A_384 : i32
      %get3A_386 = arith.constant 0 : index
      %get3A_387 = arith.index_cast %add3A_385 : i32 to index
      %get3A_388 = arith.constant 4 : index
      %get3A_389 = memref.load %arg1[%get3A_386, %get3A_387, %get3A_388] : memref<1x256x9xi32, #tpu.memory_space<smem>>
      %get3A_390 = arith.index_cast %get3A_389 : i32 to index
      %get3A_391 = arith.constant 0 : index
      %get3A_392 = vector.load %arg2[%get3A_390, %get3A_391] : memref<50000x128xf32, #tpu.memory_space<vmem>>, vector<1x128xf32>
      %concatenate3A_393 = tpu.concatenate %get3A_329, %get3A_338, %get3A_347, %get3A_356, %get3A_365, %get3A_374, %get3A_383, %get3A_392 in 0 : vector<1x128xf32>, vector<1x128xf32>, vector<1x128xf32>, vector<1x128xf32>, vector<1x128xf32>, vector<1x128xf32>, vector<1x128xf32>, vector<1x128xf32> -> vector<8x128xf32>
      %swap3A_394 = arith.index_cast %mul3A_17 : i32 to index
      %swap3A_395 = arith.constant 512 : index
      %swap3A_396 = vector.load %arg6[%swap3A_394, %swap3A_395] : memref<256x1152xf32, #tpu.memory_space<vmem>>, vector<8x128xf32>
      tpu.vector_store %arg6[%swap3A_394, %swap3A_395], %concatenate3A_393 {strides = array<i32>} : memref<256x1152xf32, #tpu.memory_space<vmem>>, vector<8x128xf32>,
      %add3A_397 = arith.constant 0 : i32
      %add3A_398 = arith.addi %mul3A_17, %add3A_397 : i32
      %get3A_399 = arith.constant 0 : index
      %get3A_400 = arith.index_cast %add3A_398 : i32 to index
      %get3A_401 = arith.constant 5 : index
      %get3A_402 = memref.load %arg1[%get3A_399, %get3A_400, %get3A_401] : memref<1x256x9xi32, #tpu.memory_space<smem>>
      %get3A_403 = arith.index_cast %get3A_402 : i32 to index
      %get3A_404 = arith.constant 0 : index
      %get3A_405 = vector.load %arg2[%get3A_403, %get3A_404] : memref<50000x128xf32, #tpu.memory_space<vmem>>, vector<1x128xf32>
      %add3A_406 = arith.constant 1 : i32
      %add3A_407 = arith.addi %mul3A_17, %add3A_406 : i32
      %get3A_408 = arith.constant 0 : index
      %get3A_409 = arith.index_cast %add3A_407 : i32 to index
      %get3A_410 = arith.constant 5 : index
      %get3A_411 = memref.load %arg1[%get3A_408, %get3A_409, %get3A_410] : memref<1x256x9xi32, #tpu.memory_space<smem>>
      %get3A_412 = arith.index_cast %get3A_411 : i32 to index
      %get3A_413 = arith.constant 0 : index
      %get3A_414 = vector.load %arg2[%get3A_412, %get3A_413] : memref<50000x128xf32, #tpu.memory_space<vmem>>, vector<1x128xf32>
      %add3A_415 = arith.constant 2 : i32
      %add3A_416 = arith.addi %mul3A_17, %add3A_415 : i32
      %get3A_417 = arith.constant 0 : index
      %get3A_418 = arith.index_cast %add3A_416 : i32 to index
      %get3A_419 = arith.constant 5 : index
      %get3A_420 = memref.load %arg1[%get3A_417, %get3A_418, %get3A_419] : memref<1x256x9xi32, #tpu.memory_space<smem>>
      %get3A_421 = arith.index_cast %get3A_420 : i32 to index
      %get3A_422 = arith.constant 0 : index
      %get3A_423 = vector.load %arg2[%get3A_421, %get3A_422] : memref<50000x128xf32, #tpu.memory_space<vmem>>, vector<1x128xf32>
      %add3A_424 = arith.constant 3 : i32
      %add3A_425 = arith.addi %mul3A_17, %add3A_424 : i32
      %get3A_426 = arith.constant 0 : index
      %get3A_427 = arith.index_cast %add3A_425 : i32 to index
      %get3A_428 = arith.constant 5 : index
      %get3A_429 = memref.load %arg1[%get3A_426, %get3A_427, %get3A_428] : memref<1x256x9xi32, #tpu.memory_space<smem>>
      %get3A_430 = arith.index_cast %get3A_429 : i32 to index
      %get3A_431 = arith.constant 0 : index
      %get3A_432 = vector.load %arg2[%get3A_430, %get3A_431] : memref<50000x128xf32, #tpu.memory_space<vmem>>, vector<1x128xf32>
      %add3A_433 = arith.constant 4 : i32
      %add3A_434 = arith.addi %mul3A_17, %add3A_433 : i32
      %get3A_435 = arith.constant 0 : index
      %get3A_436 = arith.index_cast %add3A_434 : i32 to index
      %get3A_437 = arith.constant 5 : index
      %get3A_438 = memref.load %arg1[%get3A_435, %get3A_436, %get3A_437] : memref<1x256x9xi32, #tpu.memory_space<smem>>
      %get3A_439 = arith.index_cast %get3A_438 : i32 to index
      %get3A_440 = arith.constant 0 : index
      %get3A_441 = vector.load %arg2[%get3A_439, %get3A_440] : memref<50000x128xf32, #tpu.memory_space<vmem>>, vector<1x128xf32>
      %add3A_442 = arith.constant 5 : i32
      %add3A_443 = arith.addi %mul3A_17, %add3A_442 : i32
      %get3A_444 = arith.constant 0 : index
      %get3A_445 = arith.index_cast %add3A_443 : i32 to index
      %get3A_446 = arith.constant 5 : index
      %get3A_447 = memref.load %arg1[%get3A_444, %get3A_445, %get3A_446] : memref<1x256x9xi32, #tpu.memory_space<smem>>
      %get3A_448 = arith.index_cast %get3A_447 : i32 to index
      %get3A_449 = arith.constant 0 : index
      %get3A_450 = vector.load %arg2[%get3A_448, %get3A_449] : memref<50000x128xf32, #tpu.memory_space<vmem>>, vector<1x128xf32>
      %add3A_451 = arith.constant 6 : i32
      %add3A_452 = arith.addi %mul3A_17, %add3A_451 : i32
      %get3A_453 = arith.constant 0 : index
      %get3A_454 = arith.index_cast %add3A_452 : i32 to index
      %get3A_455 = arith.constant 5 : index
      %get3A_456 = memref.load %arg1[%get3A_453, %get3A_454, %get3A_455] : memref<1x256x9xi32, #tpu.memory_space<smem>>
      %get3A_457 = arith.index_cast %get3A_456 : i32 to index
      %get3A_458 = arith.constant 0 : index
      %get3A_459 = vector.load %arg2[%get3A_457, %get3A_458] : memref<50000x128xf32, #tpu.memory_space<vmem>>, vector<1x128xf32>
      %add3A_460 = arith.constant 7 : i32
      %add3A_461 = arith.addi %mul3A_17, %add3A_460 : i32
      %get3A_462 = arith.constant 0 : index
      %get3A_463 = arith.index_cast %add3A_461 : i32 to index
      %get3A_464 = arith.constant 5 : index
      %get3A_465 = memref.load %arg1[%get3A_462, %get3A_463, %get3A_464] : memref<1x256x9xi32, #tpu.memory_space<smem>>
      %get3A_466 = arith.index_cast %get3A_465 : i32 to index
      %get3A_467 = arith.constant 0 : index
      %get3A_468 = vector.load %arg2[%get3A_466, %get3A_467] : memref<50000x128xf32, #tpu.memory_space<vmem>>, vector<1x128xf32>
      %concatenate3A_469 = tpu.concatenate %get3A_405, %get3A_414, %get3A_423, %get3A_432, %get3A_441, %get3A_450, %get3A_459, %get3A_468 in 0 : vector<1x128xf32>, vector<1x128xf32>, vector<1x128xf32>, vector<1x128xf32>, vector<1x128xf32>, vector<1x128xf32>, vector<1x128xf32>, vector<1x128xf32> -> vector<8x128xf32>
      %swap3A_470 = arith.index_cast %mul3A_17 : i32 to index
      %swap3A_471 = arith.constant 640 : index
      %swap3A_472 = vector.load %arg6[%swap3A_470, %swap3A_471] : memref<256x1152xf32, #tpu.memory_space<vmem>>, vector<8x128xf32>
      tpu.vector_store %arg6[%swap3A_470, %swap3A_471], %concatenate3A_469 {strides = array<i32>} : memref<256x1152xf32, #tpu.memory_space<vmem>>, vector<8x128xf32>,
      %add3A_473 = arith.constant 0 : i32
      %add3A_474 = arith.addi %mul3A_17, %add3A_473 : i32
      %get3A_475 = arith.constant 0 : index
      %get3A_476 = arith.index_cast %add3A_474 : i32 to index
      %get3A_477 = arith.constant 6 : index
      %get3A_478 = memref.load %arg1[%get3A_475, %get3A_476, %get3A_477] : memref<1x256x9xi32, #tpu.memory_space<smem>>
      %get3A_479 = arith.index_cast %get3A_478 : i32 to index
      %get3A_480 = arith.constant 0 : index
      %get3A_481 = vector.load %arg2[%get3A_479, %get3A_480] : memref<50000x128xf32, #tpu.memory_space<vmem>>, vector<1x128xf32>
      %add3A_482 = arith.constant 1 : i32
      %add3A_483 = arith.addi %mul3A_17, %add3A_482 : i32
      %get3A_484 = arith.constant 0 : index
      %get3A_485 = arith.index_cast %add3A_483 : i32 to index
      %get3A_486 = arith.constant 6 : index
      %get3A_487 = memref.load %arg1[%get3A_484, %get3A_485, %get3A_486] : memref<1x256x9xi32, #tpu.memory_space<smem>>
      %get3A_488 = arith.index_cast %get3A_487 : i32 to index
      %get3A_489 = arith.constant 0 : index
      %get3A_490 = vector.load %arg2[%get3A_488, %get3A_489] : memref<50000x128xf32, #tpu.memory_space<vmem>>, vector<1x128xf32>
      %add3A_491 = arith.constant 2 : i32
      %add3A_492 = arith.addi %mul3A_17, %add3A_491 : i32
      %get3A_493 = arith.constant 0 : index
      %get3A_494 = arith.index_cast %add3A_492 : i32 to index
      %get3A_495 = arith.constant 6 : index
      %get3A_496 = memref.load %arg1[%get3A_493, %get3A_494, %get3A_495] : memref<1x256x9xi32, #tpu.memory_space<smem>>
      %get3A_497 = arith.index_cast %get3A_496 : i32 to index
      %get3A_498 = arith.constant 0 : index
      %get3A_499 = vector.load %arg2[%get3A_497, %get3A_498] : memref<50000x128xf32, #tpu.memory_space<vmem>>, vector<1x128xf32>
      %add3A_500 = arith.constant 3 : i32
      %add3A_501 = arith.addi %mul3A_17, %add3A_500 : i32
      %get3A_502 = arith.constant 0 : index
      %get3A_503 = arith.index_cast %add3A_501 : i32 to index
      %get3A_504 = arith.constant 6 : index
      %get3A_505 = memref.load %arg1[%get3A_502, %get3A_503, %get3A_504] : memref<1x256x9xi32, #tpu.memory_space<smem>>
      %get3A_506 = arith.index_cast %get3A_505 : i32 to index
      %get3A_507 = arith.constant 0 : index
      %get3A_508 = vector.load %arg2[%get3A_506, %get3A_507] : memref<50000x128xf32, #tpu.memory_space<vmem>>, vector<1x128xf32>
      %add3A_509 = arith.constant 4 : i32
      %add3A_510 = arith.addi %mul3A_17, %add3A_509 : i32
      %get3A_511 = arith.constant 0 : index
      %get3A_512 = arith.index_cast %add3A_510 : i32 to index
      %get3A_513 = arith.constant 6 : index
      %get3A_514 = memref.load %arg1[%get3A_511, %get3A_512, %get3A_513] : memref<1x256x9xi32, #tpu.memory_space<smem>>
      %get3A_515 = arith.index_cast %get3A_514 : i32 to index
      %get3A_516 = arith.constant 0 : index
      %get3A_517 = vector.load %arg2[%get3A_515, %get3A_516] : memref<50000x128xf32, #tpu.memory_space<vmem>>, vector<1x128xf32>
      %add3A_518 = arith.constant 5 : i32
      %add3A_519 = arith.addi %mul3A_17, %add3A_518 : i32
      %get3A_520 = arith.constant 0 : index
      %get3A_521 = arith.index_cast %add3A_519 : i32 to index
      %get3A_522 = arith.constant 6 : index
      %get3A_523 = memref.load %arg1[%get3A_520, %get3A_521, %get3A_522] : memref<1x256x9xi32, #tpu.memory_space<smem>>
      %get3A_524 = arith.index_cast %get3A_523 : i32 to index
      %get3A_525 = arith.constant 0 : index
      %get3A_526 = vector.load %arg2[%get3A_524, %get3A_525] : memref<50000x128xf32, #tpu.memory_space<vmem>>, vector<1x128xf32>
      %add3A_527 = arith.constant 6 : i32
      %add3A_528 = arith.addi %mul3A_17, %add3A_527 : i32
      %get3A_529 = arith.constant 0 : index
      %get3A_530 = arith.index_cast %add3A_528 : i32 to index
      %get3A_531 = arith.constant 6 : index
      %get3A_532 = memref.load %arg1[%get3A_529, %get3A_530, %get3A_531] : memref<1x256x9xi32, #tpu.memory_space<smem>>
      %get3A_533 = arith.index_cast %get3A_532 : i32 to index
      %get3A_534 = arith.constant 0 : index
      %get3A_535 = vector.load %arg2[%get3A_533, %get3A_534] : memref<50000x128xf32, #tpu.memory_space<vmem>>, vector<1x128xf32>
      %add3A_536 = arith.constant 7 : i32
      %add3A_537 = arith.addi %mul3A_17, %add3A_536 : i32
      %get3A_538 = arith.constant 0 : index
      %get3A_539 = arith.index_cast %add3A_537 : i32 to index
      %get3A_540 = arith.constant 6 : index
      %get3A_541 = memref.load %arg1[%get3A_538, %get3A_539, %get3A_540] : memref<1x256x9xi32, #tpu.memory_space<smem>>
      %get3A_542 = arith.index_cast %get3A_541 : i32 to index
      %get3A_543 = arith.constant 0 : index
      %get3A_544 = vector.load %arg2[%get3A_542, %get3A_543] : memref<50000x128xf32, #tpu.memory_space<vmem>>, vector<1x128xf32>
      %concatenate3A_545 = tpu.concatenate %get3A_481, %get3A_490, %get3A_499, %get3A_508, %get3A_517, %get3A_526, %get3A_535, %get3A_544 in 0 : vector<1x128xf32>, vector<1x128xf32>, vector<1x128xf32>, vector<1x128xf32>, vector<1x128xf32>, vector<1x128xf32>, vector<1x128xf32>, vector<1x128xf32> -> vector<8x128xf32>
      %swap3A_546 = arith.index_cast %mul3A_17 : i32 to index
      %swap3A_547 = arith.constant 768 : index
      %swap3A_548 = vector.load %arg6[%swap3A_546, %swap3A_547] : memref<256x1152xf32, #tpu.memory_space<vmem>>, vector<8x128xf32>
      tpu.vector_store %arg6[%swap3A_546, %swap3A_547], %concatenate3A_545 {strides = array<i32>} : memref<256x1152xf32, #tpu.memory_space<vmem>>, vector<8x128xf32>,
      %add3A_549 = arith.constant 0 : i32
      %add3A_550 = arith.addi %mul3A_17, %add3A_549 : i32
      %get3A_551 = arith.constant 0 : index
      %get3A_552 = arith.index_cast %add3A_550 : i32 to index
      %get3A_553 = arith.constant 7 : index
      %get3A_554 = memref.load %arg1[%get3A_551, %get3A_552, %get3A_553] : memref<1x256x9xi32, #tpu.memory_space<smem>>
      %get3A_555 = arith.index_cast %get3A_554 : i32 to index
      %get3A_556 = arith.constant 0 : index
      %get3A_557 = vector.load %arg2[%get3A_555, %get3A_556] : memref<50000x128xf32, #tpu.memory_space<vmem>>, vector<1x128xf32>
      %add3A_558 = arith.constant 1 : i32
      %add3A_559 = arith.addi %mul3A_17, %add3A_558 : i32
      %get3A_560 = arith.constant 0 : index
      %get3A_561 = arith.index_cast %add3A_559 : i32 to index
      %get3A_562 = arith.constant 7 : index
      %get3A_563 = memref.load %arg1[%get3A_560, %get3A_561, %get3A_562] : memref<1x256x9xi32, #tpu.memory_space<smem>>
      %get3A_564 = arith.index_cast %get3A_563 : i32 to index
      %get3A_565 = arith.constant 0 : index
      %get3A_566 = vector.load %arg2[%get3A_564, %get3A_565] : memref<50000x128xf32, #tpu.memory_space<vmem>>, vector<1x128xf32>
      %add3A_567 = arith.constant 2 : i32
      %add3A_568 = arith.addi %mul3A_17, %add3A_567 : i32
      %get3A_569 = arith.constant 0 : index
      %get3A_570 = arith.index_cast %add3A_568 : i32 to index
      %get3A_571 = arith.constant 7 : index
      %get3A_572 = memref.load %arg1[%get3A_569, %get3A_570, %get3A_571] : memref<1x256x9xi32, #tpu.memory_space<smem>>
      %get3A_573 = arith.index_cast %get3A_572 : i32 to index
      %get3A_574 = arith.constant 0 : index
      %get3A_575 = vector.load %arg2[%get3A_573, %get3A_574] : memref<50000x128xf32, #tpu.memory_space<vmem>>, vector<1x128xf32>
      %add3A_576 = arith.constant 3 : i32
      %add3A_577 = arith.addi %mul3A_17, %add3A_576 : i32
      %get3A_578 = arith.constant 0 : index
      %get3A_579 = arith.index_cast %add3A_577 : i32 to index
      %get3A_580 = arith.constant 7 : index
      %get3A_581 = memref.load %arg1[%get3A_578, %get3A_579, %get3A_580] : memref<1x256x9xi32, #tpu.memory_space<smem>>
      %get3A_582 = arith.index_cast %get3A_581 : i32 to index
      %get3A_583 = arith.constant 0 : index
      %get3A_584 = vector.load %arg2[%get3A_582, %get3A_583] : memref<50000x128xf32, #tpu.memory_space<vmem>>, vector<1x128xf32>
      %add3A_585 = arith.constant 4 : i32
      %add3A_586 = arith.addi %mul3A_17, %add3A_585 : i32
      %get3A_587 = arith.constant 0 : index
      %get3A_588 = arith.index_cast %add3A_586 : i32 to index
      %get3A_589 = arith.constant 7 : index
      %get3A_590 = memref.load %arg1[%get3A_587, %get3A_588, %get3A_589] : memref<1x256x9xi32, #tpu.memory_space<smem>>
      %get3A_591 = arith.index_cast %get3A_590 : i32 to index
      %get3A_592 = arith.constant 0 : index
      %get3A_593 = vector.load %arg2[%get3A_591, %get3A_592] : memref<50000x128xf32, #tpu.memory_space<vmem>>, vector<1x128xf32>
      %add3A_594 = arith.constant 5 : i32
      %add3A_595 = arith.addi %mul3A_17, %add3A_594 : i32
      %get3A_596 = arith.constant 0 : index
      %get3A_597 = arith.index_cast %add3A_595 : i32 to index
      %get3A_598 = arith.constant 7 : index
      %get3A_599 = memref.load %arg1[%get3A_596, %get3A_597, %get3A_598] : memref<1x256x9xi32, #tpu.memory_space<smem>>
      %get3A_600 = arith.index_cast %get3A_599 : i32 to index
      %get3A_601 = arith.constant 0 : index
      %get3A_602 = vector.load %arg2[%get3A_600, %get3A_601] : memref<50000x128xf32, #tpu.memory_space<vmem>>, vector<1x128xf32>
      %add3A_603 = arith.constant 6 : i32
      %add3A_604 = arith.addi %mul3A_17, %add3A_603 : i32
      %get3A_605 = arith.constant 0 : index
      %get3A_606 = arith.index_cast %add3A_604 : i32 to index
      %get3A_607 = arith.constant 7 : index
      %get3A_608 = memref.load %arg1[%get3A_605, %get3A_606, %get3A_607] : memref<1x256x9xi32, #tpu.memory_space<smem>>
      %get3A_609 = arith.index_cast %get3A_608 : i32 to index
      %get3A_610 = arith.constant 0 : index
      %get3A_611 = vector.load %arg2[%get3A_609, %get3A_610] : memref<50000x128xf32, #tpu.memory_space<vmem>>, vector<1x128xf32>
      %add3A_612 = arith.constant 7 : i32
      %add3A_613 = arith.addi %mul3A_17, %add3A_612 : i32
      %get3A_614 = arith.constant 0 : index
      %get3A_615 = arith.index_cast %add3A_613 : i32 to index
      %get3A_616 = arith.constant 7 : index
      %get3A_617 = memref.load %arg1[%get3A_614, %get3A_615, %get3A_616] : memref<1x256x9xi32, #tpu.memory_space<smem>>
      %get3A_618 = arith.index_cast %get3A_617 : i32 to index
      %get3A_619 = arith.constant 0 : index
      %get3A_620 = vector.load %arg2[%get3A_618, %get3A_619] : memref<50000x128xf32, #tpu.memory_space<vmem>>, vector<1x128xf32>
      %concatenate3A_621 = tpu.concatenate %get3A_557, %get3A_566, %get3A_575, %get3A_584, %get3A_593, %get3A_602, %get3A_611, %get3A_620 in 0 : vector<1x128xf32>, vector<1x128xf32>, vector<1x128xf32>, vector<1x128xf32>, vector<1x128xf32>, vector<1x128xf32>, vector<1x128xf32>, vector<1x128xf32> -> vector<8x128xf32>
      %swap3A_622 = arith.index_cast %mul3A_17 : i32 to index
      %swap3A_623 = arith.constant 896 : index
      %swap3A_624 = vector.load %arg6[%swap3A_622, %swap3A_623] : memref<256x1152xf32, #tpu.memory_space<vmem>>, vector<8x128xf32>
      tpu.vector_store %arg6[%swap3A_622, %swap3A_623], %concatenate3A_621 {strides = array<i32>} : memref<256x1152xf32, #tpu.memory_space<vmem>>, vector<8x128xf32>,
      %add3A_625 = arith.constant 0 : i32
      %add3A_626 = arith.addi %mul3A_17, %add3A_625 : i32
      %get3A_627 = arith.constant 0 : index
      %get3A_628 = arith.index_cast %add3A_626 : i32 to index
      %get3A_629 = arith.constant 8 : index
      %get3A_630 = memref.load %arg1[%get3A_627, %get3A_628, %get3A_629] : memref<1x256x9xi32, #tpu.memory_space<smem>>
      %get3A_631 = arith.index_cast %get3A_630 : i32 to index
      %get3A_632 = arith.constant 0 : index
      %get3A_633 = vector.load %arg2[%get3A_631, %get3A_632] : memref<50000x128xf32, #tpu.memory_space<vmem>>, vector<1x128xf32>
      %add3A_634 = arith.constant 1 : i32
      %add3A_635 = arith.addi %mul3A_17, %add3A_634 : i32
      %get3A_636 = arith.constant 0 : index
      %get3A_637 = arith.index_cast %add3A_635 : i32 to index
      %get3A_638 = arith.constant 8 : index
      %get3A_639 = memref.load %arg1[%get3A_636, %get3A_637, %get3A_638] : memref<1x256x9xi32, #tpu.memory_space<smem>>
      %get3A_640 = arith.index_cast %get3A_639 : i32 to index
      %get3A_641 = arith.constant 0 : index
      %get3A_642 = vector.load %arg2[%get3A_640, %get3A_641] : memref<50000x128xf32, #tpu.memory_space<vmem>>, vector<1x128xf32>
      %add3A_643 = arith.constant 2 : i32
      %add3A_644 = arith.addi %mul3A_17, %add3A_643 : i32
      %get3A_645 = arith.constant 0 : index
      %get3A_646 = arith.index_cast %add3A_644 : i32 to index
      %get3A_647 = arith.constant 8 : index
      %get3A_648 = memref.load %arg1[%get3A_645, %get3A_646, %get3A_647] : memref<1x256x9xi32, #tpu.memory_space<smem>>
      %get3A_649 = arith.index_cast %get3A_648 : i32 to index
      %get3A_650 = arith.constant 0 : index
      %get3A_651 = vector.load %arg2[%get3A_649, %get3A_650] : memref<50000x128xf32, #tpu.memory_space<vmem>>, vector<1x128xf32>
      %add3A_652 = arith.constant 3 : i32
      %add3A_653 = arith.addi %mul3A_17, %add3A_652 : i32
      %get3A_654 = arith.constant 0 : index
      %get3A_655 = arith.index_cast %add3A_653 : i32 to index
      %get3A_656 = arith.constant 8 : index
      %get3A_657 = memref.load %arg1[%get3A_654, %get3A_655, %get3A_656] : memref<1x256x9xi32, #tpu.memory_space<smem>>
      %get3A_658 = arith.index_cast %get3A_657 : i32 to index
      %get3A_659 = arith.constant 0 : index
      %get3A_660 = vector.load %arg2[%get3A_658, %get3A_659] : memref<50000x128xf32, #tpu.memory_space<vmem>>, vector<1x128xf32>
      %add3A_661 = arith.constant 4 : i32
      %add3A_662 = arith.addi %mul3A_17, %add3A_661 : i32
      %get3A_663 = arith.constant 0 : index
      %get3A_664 = arith.index_cast %add3A_662 : i32 to index
      %get3A_665 = arith.constant 8 : index
      %get3A_666 = memref.load %arg1[%get3A_663, %get3A_664, %get3A_665] : memref<1x256x9xi32, #tpu.memory_space<smem>>
      %get3A_667 = arith.index_cast %get3A_666 : i32 to index
      %get3A_668 = arith.constant 0 : index
      %get3A_669 = vector.load %arg2[%get3A_667, %get3A_668] : memref<50000x128xf32, #tpu.memory_space<vmem>>, vector<1x128xf32>
      %add3A_670 = arith.constant 5 : i32
      %add3A_671 = arith.addi %mul3A_17, %add3A_670 : i32
      %get3A_672 = arith.constant 0 : index
      %get3A_673 = arith.index_cast %add3A_671 : i32 to index
      %get3A_674 = arith.constant 8 : index
      %get3A_675 = memref.load %arg1[%get3A_672, %get3A_673, %get3A_674] : memref<1x256x9xi32, #tpu.memory_space<smem>>
      %get3A_676 = arith.index_cast %get3A_675 : i32 to index
      %get3A_677 = arith.constant 0 : index
      %get3A_678 = vector.load %arg2[%get3A_676, %get3A_677] : memref<50000x128xf32, #tpu.memory_space<vmem>>, vector<1x128xf32>
      %add3A_679 = arith.constant 6 : i32
      %add3A_680 = arith.addi %mul3A_17, %add3A_679 : i32
      %get3A_681 = arith.constant 0 : index
      %get3A_682 = arith.index_cast %add3A_680 : i32 to index
      %get3A_683 = arith.constant 8 : index
      %get3A_684 = memref.load %arg1[%get3A_681, %get3A_682, %get3A_683] : memref<1x256x9xi32, #tpu.memory_space<smem>>
      %get3A_685 = arith.index_cast %get3A_684 : i32 to index
      %get3A_686 = arith.constant 0 : index
      %get3A_687 = vector.load %arg2[%get3A_685, %get3A_686] : memref<50000x128xf32, #tpu.memory_space<vmem>>, vector<1x128xf32>
      %add3A_688 = arith.constant 7 : i32
      %add3A_689 = arith.addi %mul3A_17, %add3A_688 : i32
      %get3A_690 = arith.constant 0 : index
      %get3A_691 = arith.index_cast %add3A_689 : i32 to index
      %get3A_692 = arith.constant 8 : index
      %get3A_693 = memref.load %arg1[%get3A_690, %get3A_691, %get3A_692] : memref<1x256x9xi32, #tpu.memory_space<smem>>
      %get3A_694 = arith.index_cast %get3A_693 : i32 to index
      %get3A_695 = arith.constant 0 : index
      %get3A_696 = vector.load %arg2[%get3A_694, %get3A_695] : memref<50000x128xf32, #tpu.memory_space<vmem>>, vector<1x128xf32>
      %concatenate3A_697 = tpu.concatenate %get3A_633, %get3A_642, %get3A_651, %get3A_660, %get3A_669, %get3A_678, %get3A_687, %get3A_696 in 0 : vector<1x128xf32>, vector<1x128xf32>, vector<1x128xf32>, vector<1x128xf32>, vector<1x128xf32>, vector<1x128xf32>, vector<1x128xf32>, vector<1x128xf32> -> vector<8x128xf32>
      %swap3A_698 = arith.index_cast %mul3A_17 : i32 to index
      %swap3A_699 = arith.constant 1024 : index
      %swap3A_700 = vector.load %arg6[%swap3A_698, %swap3A_699] : memref<256x1152xf32, #tpu.memory_space<vmem>>, vector<8x128xf32>
      tpu.vector_store %arg6[%swap3A_698, %swap3A_699], %concatenate3A_697 {strides = array<i32>} : memref<256x1152xf32, #tpu.memory_space<vmem>>, vector<8x128xf32>,
      %scan3A_701 = arith.constant 1 : i32
      %scan3A_702 = arith.addi %scan3A_16, %scan3A_701 : i32
      %mul3A_703 = arith.constant 8 : i32
      %mul3A_704 = arith.muli %scan3A_702, %mul3A_703 : i32
      %add3A_705 = arith.constant 0 : i32
      %add3A_706 = arith.addi %mul3A_704, %add3A_705 : i32
      %get3A_707 = arith.constant 0 : index
      %get3A_708 = arith.index_cast %add3A_706 : i32 to index
      %get3A_709 = arith.constant 0 : index
      %get3A_710 = memref.load %arg1[%get3A_707, %get3A_708, %get3A_709] : memref<1x256x9xi32, #tpu.memory_space<smem>>
      %get3A_711 = arith.index_cast %get3A_710 : i32 to index
      %get3A_712 = arith.constant 0 : index
      %get3A_713 = vector.load %arg2[%get3A_711, %get3A_712] : memref<50000x128xf32, #tpu.memory_space<vmem>>, vector<1x128xf32>
      %add3A_714 = arith.constant 1 : i32
      %add3A_715 = arith.addi %mul3A_704, %add3A_714 : i32
      %get3A_716 = arith.constant 0 : index
      %get3A_717 = arith.index_cast %add3A_715 : i32 to index
      %get3A_718 = arith.constant 0 : index
      %get3A_719 = memref.load %arg1[%get3A_716, %get3A_717, %get3A_718] : memref<1x256x9xi32, #tpu.memory_space<smem>>
      %get3A_720 = arith.index_cast %get3A_719 : i32 to index
      %get3A_721 = arith.constant 0 : index
      %get3A_722 = vector.load %arg2[%get3A_720, %get3A_721] : memref<50000x128xf32, #tpu.memory_space<vmem>>, vector<1x128xf32>
      %add3A_723 = arith.constant 2 : i32
      %add3A_724 = arith.addi %mul3A_704, %add3A_723 : i32
      %get3A_725 = arith.constant 0 : index
      %get3A_726 = arith.index_cast %add3A_724 : i32 to index
      %get3A_727 = arith.constant 0 : index
      %get3A_728 = memref.load %arg1[%get3A_725, %get3A_726, %get3A_727] : memref<1x256x9xi32, #tpu.memory_space<smem>>
      %get3A_729 = arith.index_cast %get3A_728 : i32 to index
      %get3A_730 = arith.constant 0 : index
      %get3A_731 = vector.load %arg2[%get3A_729, %get3A_730] : memref<50000x128xf32, #tpu.memory_space<vmem>>, vector<1x128xf32>
      %add3A_732 = arith.constant 3 : i32
      %add3A_733 = arith.addi %mul3A_704, %add3A_732 : i32
      %get3A_734 = arith.constant 0 : index
      %get3A_735 = arith.index_cast %add3A_733 : i32 to index
      %get3A_736 = arith.constant 0 : index
      %get3A_737 = memref.load %arg1[%get3A_734, %get3A_735, %get3A_736] : memref<1x256x9xi32, #tpu.memory_space<smem>>
      %get3A_738 = arith.index_cast %get3A_737 : i32 to index
      %get3A_739 = arith.constant 0 : index
      %get3A_740 = vector.load %arg2[%get3A_738, %get3A_739] : memref<50000x128xf32, #tpu.memory_space<vmem>>, vector<1x128xf32>
      %add3A_741 = arith.constant 4 : i32
      %add3A_742 = arith.addi %mul3A_704, %add3A_741 : i32
      %get3A_743 = arith.constant 0 : index
      %get3A_744 = arith.index_cast %add3A_742 : i32 to index
      %get3A_745 = arith.constant 0 : index
      %get3A_746 = memref.load %arg1[%get3A_743, %get3A_744, %get3A_745] : memref<1x256x9xi32, #tpu.memory_space<smem>>
      %get3A_747 = arith.index_cast %get3A_746 : i32 to index
      %get3A_748 = arith.constant 0 : index
      %get3A_749 = vector.load %arg2[%get3A_747, %get3A_748] : memref<50000x128xf32, #tpu.memory_space<vmem>>, vector<1x128xf32>
      %add3A_750 = arith.constant 5 : i32
      %add3A_751 = arith.addi %mul3A_704, %add3A_750 : i32
      %get3A_752 = arith.constant 0 : index
      %get3A_753 = arith.index_cast %add3A_751 : i32 to index
      %get3A_754 = arith.constant 0 : index
      %get3A_755 = memref.load %arg1[%get3A_752, %get3A_753, %get3A_754] : memref<1x256x9xi32, #tpu.memory_space<smem>>
      %get3A_756 = arith.index_cast %get3A_755 : i32 to index
      %get3A_757 = arith.constant 0 : index
      %get3A_758 = vector.load %arg2[%get3A_756, %get3A_757] : memref<50000x128xf32, #tpu.memory_space<vmem>>, vector<1x128xf32>
      %add3A_759 = arith.constant 6 : i32
      %add3A_760 = arith.addi %mul3A_704, %add3A_759 : i32
      %get3A_761 = arith.constant 0 : index
      %get3A_762 = arith.index_cast %add3A_760 : i32 to index
      %get3A_763 = arith.constant 0 : index
      %get3A_764 = memref.load %arg1[%get3A_761, %get3A_762, %get3A_763] : memref<1x256x9xi32, #tpu.memory_space<smem>>
      %get3A_765 = arith.index_cast %get3A_764 : i32 to index
      %get3A_766 = arith.constant 0 : index
      %get3A_767 = vector.load %arg2[%get3A_765, %get3A_766] : memref<50000x128xf32, #tpu.memory_space<vmem>>, vector<1x128xf32>
      %add3A_768 = arith.constant 7 : i32
      %add3A_769 = arith.addi %mul3A_704, %add3A_768 : i32
      %get3A_770 = arith.constant 0 : index
      %get3A_771 = arith.index_cast %add3A_769 : i32 to index
      %get3A_772 = arith.constant 0 : index
      %get3A_773 = memref.load %arg1[%get3A_770, %get3A_771, %get3A_772] : memref<1x256x9xi32, #tpu.memory_space<smem>>
      %get3A_774 = arith.index_cast %get3A_773 : i32 to index
      %get3A_775 = arith.constant 0 : index
      %get3A_776 = vector.load %arg2[%get3A_774, %get3A_775] : memref<50000x128xf32, #tpu.memory_space<vmem>>, vector<1x128xf32>
      %concatenate3A_777 = tpu.concatenate %get3A_713, %get3A_722, %get3A_731, %get3A_740, %get3A_749, %get3A_758, %get3A_767, %get3A_776 in 0 : vector<1x128xf32>, vector<1x128xf32>, vector<1x128xf32>, vector<1x128xf32>, vector<1x128xf32>, vector<1x128xf32>, vector<1x128xf32>, vector<1x128xf32> -> vector<8x128xf32>
      %swap3A_778 = arith.index_cast %mul3A_704 : i32 to index
      %swap3A_779 = arith.constant 0 : index
      %swap3A_780 = vector.load %arg6[%swap3A_778, %swap3A_779] : memref<256x1152xf32, #tpu.memory_space<vmem>>, vector<8x128xf32>
      tpu.vector_store %arg6[%swap3A_778, %swap3A_779], %concatenate3A_777 {strides = array<i32>} : memref<256x1152xf32, #tpu.memory_space<vmem>>, vector<8x128xf32>,
      %add3A_781 = arith.constant 0 : i32
      %add3A_782 = arith.addi %mul3A_704, %add3A_781 : i32
      %get3A_783 = arith.constant 0 : index
      %get3A_784 = arith.index_cast %add3A_782 : i32 to index
      %get3A_785 = arith.constant 1 : index
      %get3A_786 = memref.load %arg1[%get3A_783, %get3A_784, %get3A_785] : memref<1x256x9xi32, #tpu.memory_space<smem>>
      %get3A_787 = arith.index_cast %get3A_786 : i32 to index
      %get3A_788 = arith.constant 0 : index
      %get3A_789 = vector.load %arg2[%get3A_787, %get3A_788] : memref<50000x128xf32, #tpu.memory_space<vmem>>, vector<1x128xf32>
      %add3A_790 = arith.constant 1 : i32
      %add3A_791 = arith.addi %mul3A_704, %add3A_790 : i32
      %get3A_792 = arith.constant 0 : index
      %get3A_793 = arith.index_cast %add3A_791 : i32 to index
      %get3A_794 = arith.constant 1 : index
      %get3A_795 = memref.load %arg1[%get3A_792, %get3A_793, %get3A_794] : memref<1x256x9xi32, #tpu.memory_space<smem>>
      %get3A_796 = arith.index_cast %get3A_795 : i32 to index
      %get3A_797 = arith.constant 0 : index
      %get3A_798 = vector.load %arg2[%get3A_796, %get3A_797] : memref<50000x128xf32, #tpu.memory_space<vmem>>, vector<1x128xf32>
      %add3A_799 = arith.constant 2 : i32
      %add3A_800 = arith.addi %mul3A_704, %add3A_799 : i32
      %get3A_801 = arith.constant 0 : index
      %get3A_802 = arith.index_cast %add3A_800 : i32 to index
      %get3A_803 = arith.constant 1 : index
      %get3A_804 = memref.load %arg1[%get3A_801, %get3A_802, %get3A_803] : memref<1x256x9xi32, #tpu.memory_space<smem>>
      %get3A_805 = arith.index_cast %get3A_804 : i32 to index
      %get3A_806 = arith.constant 0 : index
      %get3A_807 = vector.load %arg2[%get3A_805, %get3A_806] : memref<50000x128xf32, #tpu.memory_space<vmem>>, vector<1x128xf32>
      %add3A_808 = arith.constant 3 : i32
      %add3A_809 = arith.addi %mul3A_704, %add3A_808 : i32
      %get3A_810 = arith.constant 0 : index
      %get3A_811 = arith.index_cast %add3A_809 : i32 to index
      %get3A_812 = arith.constant 1 : index
      %get3A_813 = memref.load %arg1[%get3A_810, %get3A_811, %get3A_812] : memref<1x256x9xi32, #tpu.memory_space<smem>>
      %get3A_814 = arith.index_cast %get3A_813 : i32 to index
      %get3A_815 = arith.constant 0 : index
      %get3A_816 = vector.load %arg2[%get3A_814, %get3A_815] : memref<50000x128xf32, #tpu.memory_space<vmem>>, vector<1x128xf32>
      %add3A_817 = arith.constant 4 : i32
      %add3A_818 = arith.addi %mul3A_704, %add3A_817 : i32
      %get3A_819 = arith.constant 0 : index
      %get3A_820 = arith.index_cast %add3A_818 : i32 to index
      %get3A_821 = arith.constant 1 : index
      %get3A_822 = memref.load %arg1[%get3A_819, %get3A_820, %get3A_821] : memref<1x256x9xi32, #tpu.memory_space<smem>>
      %get3A_823 = arith.index_cast %get3A_822 : i32 to index
      %get3A_824 = arith.constant 0 : index
      %get3A_825 = vector.load %arg2[%get3A_823, %get3A_824] : memref<50000x128xf32, #tpu.memory_space<vmem>>, vector<1x128xf32>
      %add3A_826 = arith.constant 5 : i32
      %add3A_827 = arith.addi %mul3A_704, %add3A_826 : i32
      %get3A_828 = arith.constant 0 : index
      %get3A_829 = arith.index_cast %add3A_827 : i32 to index
      %get3A_830 = arith.constant 1 : index
      %get3A_831 = memref.load %arg1[%get3A_828, %get3A_829, %get3A_830] : memref<1x256x9xi32, #tpu.memory_space<smem>>
      %get3A_832 = arith.index_cast %get3A_831 : i32 to index
      %get3A_833 = arith.constant 0 : index
      %get3A_834 = vector.load %arg2[%get3A_832, %get3A_833] : memref<50000x128xf32, #tpu.memory_space<vmem>>, vector<1x128xf32>
      %add3A_835 = arith.constant 6 : i32
      %add3A_836 = arith.addi %mul3A_704, %add3A_835 : i32
      %get3A_837 = arith.constant 0 : index
      %get3A_838 = arith.index_cast %add3A_836 : i32 to index
      %get3A_839 = arith.constant 1 : index
      %get3A_840 = memref.load %arg1[%get3A_837, %get3A_838, %get3A_839] : memref<1x256x9xi32, #tpu.memory_space<smem>>
      %get3A_841 = arith.index_cast %get3A_840 : i32 to index
      %get3A_842 = arith.constant 0 : index
      %get3A_843 = vector.load %arg2[%get3A_841, %get3A_842] : memref<50000x128xf32, #tpu.memory_space<vmem>>, vector<1x128xf32>
      %add3A_844 = arith.constant 7 : i32
      %add3A_845 = arith.addi %mul3A_704, %add3A_844 : i32
      %get3A_846 = arith.constant 0 : index
      %get3A_847 = arith.index_cast %add3A_845 : i32 to index
      %get3A_848 = arith.constant 1 : index
      %get3A_849 = memref.load %arg1[%get3A_846, %get3A_847, %get3A_848] : memref<1x256x9xi32, #tpu.memory_space<smem>>
      %get3A_850 = arith.index_cast %get3A_849 : i32 to index
      %get3A_851 = arith.constant 0 : index
      %get3A_852 = vector.load %arg2[%get3A_850, %get3A_851] : memref<50000x128xf32, #tpu.memory_space<vmem>>, vector<1x128xf32>
      %concatenate3A_853 = tpu.concatenate %get3A_789, %get3A_798, %get3A_807, %get3A_816, %get3A_825, %get3A_834, %get3A_843, %get3A_852 in 0 : vector<1x128xf32>, vector<1x128xf32>, vector<1x128xf32>, vector<1x128xf32>, vector<1x128xf32>, vector<1x128xf32>, vector<1x128xf32>, vector<1x128xf32> -> vector<8x128xf32>
      %swap3A_854 = arith.index_cast %mul3A_704 : i32 to index
      %swap3A_855 = arith.constant 128 : index
      %swap3A_856 = vector.load %arg6[%swap3A_854, %swap3A_855] : memref<256x1152xf32, #tpu.memory_space<vmem>>, vector<8x128xf32>
      tpu.vector_store %arg6[%swap3A_854, %swap3A_855], %concatenate3A_853 {strides = array<i32>} : memref<256x1152xf32, #tpu.memory_space<vmem>>, vector<8x128xf32>,
      %add3A_857 = arith.constant 0 : i32
      %add3A_858 = arith.addi %mul3A_704, %add3A_857 : i32
      %get3A_859 = arith.constant 0 : index
      %get3A_860 = arith.index_cast %add3A_858 : i32 to index
      %get3A_861 = arith.constant 2 : index
      %get3A_862 = memref.load %arg1[%get3A_859, %get3A_860, %get3A_861] : memref<1x256x9xi32, #tpu.memory_space<smem>>
      %get3A_863 = arith.index_cast %get3A_862 : i32 to index
      %get3A_864 = arith.constant 0 : index
      %get3A_865 = vector.load %arg2[%get3A_863, %get3A_864] : memref<50000x128xf32, #tpu.memory_space<vmem>>, vector<1x128xf32>
      %add3A_866 = arith.constant 1 : i32
      %add3A_867 = arith.addi %mul3A_704, %add3A_866 : i32
      %get3A_868 = arith.constant 0 : index
      %get3A_869 = arith.index_cast %add3A_867 : i32 to index
      %get3A_870 = arith.constant 2 : index
      %get3A_871 = memref.load %arg1[%get3A_868, %get3A_869, %get3A_870] : memref<1x256x9xi32, #tpu.memory_space<smem>>
      %get3A_872 = arith.index_cast %get3A_871 : i32 to index
      %get3A_873 = arith.constant 0 : index
      %get3A_874 = vector.load %arg2[%get3A_872, %get3A_873] : memref<50000x128xf32, #tpu.memory_space<vmem>>, vector<1x128xf32>
      %add3A_875 = arith.constant 2 : i32
      %add3A_876 = arith.addi %mul3A_704, %add3A_875 : i32
      %get3A_877 = arith.constant 0 : index
      %get3A_878 = arith.index_cast %add3A_876 : i32 to index
      %get3A_879 = arith.constant 2 : index
      %get3A_880 = memref.load %arg1[%get3A_877, %get3A_878, %get3A_879] : memref<1x256x9xi32, #tpu.memory_space<smem>>
      %get3A_881 = arith.index_cast %get3A_880 : i32 to index
      %get3A_882 = arith.constant 0 : index
      %get3A_883 = vector.load %arg2[%get3A_881, %get3A_882] : memref<50000x128xf32, #tpu.memory_space<vmem>>, vector<1x128xf32>
      %add3A_884 = arith.constant 3 : i32
      %add3A_885 = arith.addi %mul3A_704, %add3A_884 : i32
      %get3A_886 = arith.constant 0 : index
      %get3A_887 = arith.index_cast %add3A_885 : i32 to index
      %get3A_888 = arith.constant 2 : index
      %get3A_889 = memref.load %arg1[%get3A_886, %get3A_887, %get3A_888] : memref<1x256x9xi32, #tpu.memory_space<smem>>
      %get3A_890 = arith.index_cast %get3A_889 : i32 to index
      %get3A_891 = arith.constant 0 : index
      %get3A_892 = vector.load %arg2[%get3A_890, %get3A_891] : memref<50000x128xf32, #tpu.memory_space<vmem>>, vector<1x128xf32>
      %add3A_893 = arith.constant 4 : i32
      %add3A_894 = arith.addi %mul3A_704, %add3A_893 : i32
      %get3A_895 = arith.constant 0 : index
      %get3A_896 = arith.index_cast %add3A_894 : i32 to index
      %get3A_897 = arith.constant 2 : index
      %get3A_898 = memref.load %arg1[%get3A_895, %get3A_896, %get3A_897] : memref<1x256x9xi32, #tpu.memory_space<smem>>
      %get3A_899 = arith.index_cast %get3A_898 : i32 to index
      %get3A_900 = arith.constant 0 : index
      %get3A_901 = vector.load %arg2[%get3A_899, %get3A_900] : memref<50000x128xf32, #tpu.memory_space<vmem>>, vector<1x128xf32>
      %add3A_902 = arith.constant 5 : i32
      %add3A_903 = arith.addi %mul3A_704, %add3A_902 : i32
      %get3A_904 = arith.constant 0 : index
      %get3A_905 = arith.index_cast %add3A_903 : i32 to index
      %get3A_906 = arith.constant 2 : index
      %get3A_907 = memref.load %arg1[%get3A_904, %get3A_905, %get3A_906] : memref<1x256x9xi32, #tpu.memory_space<smem>>
      %get3A_908 = arith.index_cast %get3A_907 : i32 to index
      %get3A_909 = arith.constant 0 : index
      %get3A_910 = vector.load %arg2[%get3A_908, %get3A_909] : memref<50000x128xf32, #tpu.memory_space<vmem>>, vector<1x128xf32>
      %add3A_911 = arith.constant 6 : i32
      %add3A_912 = arith.addi %mul3A_704, %add3A_911 : i32
      %get3A_913 = arith.constant 0 : index
      %get3A_914 = arith.index_cast %add3A_912 : i32 to index
      %get3A_915 = arith.constant 2 : index
      %get3A_916 = memref.load %arg1[%get3A_913, %get3A_914, %get3A_915] : memref<1x256x9xi32, #tpu.memory_space<smem>>
      %get3A_917 = arith.index_cast %get3A_916 : i32 to index
      %get3A_918 = arith.constant 0 : index
      %get3A_919 = vector.load %arg2[%get3A_917, %get3A_918] : memref<50000x128xf32, #tpu.memory_space<vmem>>, vector<1x128xf32>
      %add3A_920 = arith.constant 7 : i32
      %add3A_921 = arith.addi %mul3A_704, %add3A_920 : i32
      %get3A_922 = arith.constant 0 : index
      %get3A_923 = arith.index_cast %add3A_921 : i32 to index
      %get3A_924 = arith.constant 2 : index
      %get3A_925 = memref.load %arg1[%get3A_922, %get3A_923, %get3A_924] : memref<1x256x9xi32, #tpu.memory_space<smem>>
      %get3A_926 = arith.index_cast %get3A_925 : i32 to index
      %get3A_927 = arith.constant 0 : index
      %get3A_928 = vector.load %arg2[%get3A_926, %get3A_927] : memref<50000x128xf32, #tpu.memory_space<vmem>>, vector<1x128xf32>
      %concatenate3A_929 = tpu.concatenate %get3A_865, %get3A_874, %get3A_883, %get3A_892, %get3A_901, %get3A_910, %get3A_919, %get3A_928 in 0 : vector<1x128xf32>, vector<1x128xf32>, vector<1x128xf32>, vector<1x128xf32>, vector<1x128xf32>, vector<1x128xf32>, vector<1x128xf32>, vector<1x128xf32> -> vector<8x128xf32>
      %swap3A_930 = arith.index_cast %mul3A_704 : i32 to index
      %swap3A_931 = arith.constant 256 : index
      %swap3A_932 = vector.load %arg6[%swap3A_930, %swap3A_931] : memref<256x1152xf32, #tpu.memory_space<vmem>>, vector<8x128xf32>
      tpu.vector_store %arg6[%swap3A_930, %swap3A_931], %concatenate3A_929 {strides = array<i32>} : memref<256x1152xf32, #tpu.memory_space<vmem>>, vector<8x128xf32>,
      %add3A_933 = arith.constant 0 : i32
      %add3A_934 = arith.addi %mul3A_704, %add3A_933 : i32
      %get3A_935 = arith.constant 0 : index
      %get3A_936 = arith.index_cast %add3A_934 : i32 to index
      %get3A_937 = arith.constant 3 : index
      %get3A_938 = memref.load %arg1[%get3A_935, %get3A_936, %get3A_937] : memref<1x256x9xi32, #tpu.memory_space<smem>>
      %get3A_939 = arith.index_cast %get3A_938 : i32 to index
      %get3A_940 = arith.constant 0 : index
      %get3A_941 = vector.load %arg2[%get3A_939, %get3A_940] : memref<50000x128xf32, #tpu.memory_space<vmem>>, vector<1x128xf32>
      %add3A_942 = arith.constant 1 : i32
      %add3A_943 = arith.addi %mul3A_704, %add3A_942 : i32
      %get3A_944 = arith.constant 0 : index
      %get3A_945 = arith.index_cast %add3A_943 : i32 to index
      %get3A_946 = arith.constant 3 : index
      %get3A_947 = memref.load %arg1[%get3A_944, %get3A_945, %get3A_946] : memref<1x256x9xi32, #tpu.memory_space<smem>>
      %get3A_948 = arith.index_cast %get3A_947 : i32 to index
      %get3A_949 = arith.constant 0 : index
      %get3A_950 = vector.load %arg2[%get3A_948, %get3A_949] : memref<50000x128xf32, #tpu.memory_space<vmem>>, vector<1x128xf32>
      %add3A_951 = arith.constant 2 : i32
      %add3A_952 = arith.addi %mul3A_704, %add3A_951 : i32
      %get3A_953 = arith.constant 0 : index
      %get3A_954 = arith.index_cast %add3A_952 : i32 to index
      %get3A_955 = arith.constant 3 : index
      %get3A_956 = memref.load %arg1[%get3A_953, %get3A_954, %get3A_955] : memref<1x256x9xi32, #tpu.memory_space<smem>>
      %get3A_957 = arith.index_cast %get3A_956 : i32 to index
      %get3A_958 = arith.constant 0 : index
      %get3A_959 = vector.load %arg2[%get3A_957, %get3A_958] : memref<50000x128xf32, #tpu.memory_space<vmem>>, vector<1x128xf32>
      %add3A_960 = arith.constant 3 : i32
      %add3A_961 = arith.addi %mul3A_704, %add3A_960 : i32
      %get3A_962 = arith.constant 0 : index
      %get3A_963 = arith.index_cast %add3A_961 : i32 to index
      %get3A_964 = arith.constant 3 : index
      %get3A_965 = memref.load %arg1[%get3A_962, %get3A_963, %get3A_964] : memref<1x256x9xi32, #tpu.memory_space<smem>>
      %get3A_966 = arith.index_cast %get3A_965 : i32 to index
      %get3A_967 = arith.constant 0 : index
      %get3A_968 = vector.load %arg2[%get3A_966, %get3A_967] : memref<50000x128xf32, #tpu.memory_space<vmem>>, vector<1x128xf32>
      %add3A_969 = arith.constant 4 : i32
      %add3A_970 = arith.addi %mul3A_704, %add3A_969 : i32
      %get3A_971 = arith.constant 0 : index
      %get3A_972 = arith.index_cast %add3A_970 : i32 to index
      %get3A_973 = arith.constant 3 : index
      %get3A_974 = memref.load %arg1[%get3A_971, %get3A_972, %get3A_973] : memref<1x256x9xi32, #tpu.memory_space<smem>>
      %get3A_975 = arith.index_cast %get3A_974 : i32 to index
      %get3A_976 = arith.constant 0 : index
      %get3A_977 = vector.load %arg2[%get3A_975, %get3A_976] : memref<50000x128xf32, #tpu.memory_space<vmem>>, vector<1x128xf32>
      %add3A_978 = arith.constant 5 : i32
      %add3A_979 = arith.addi %mul3A_704, %add3A_978 : i32
      %get3A_980 = arith.constant 0 : index
      %get3A_981 = arith.index_cast %add3A_979 : i32 to index
      %get3A_982 = arith.constant 3 : index
      %get3A_983 = memref.load %arg1[%get3A_980, %get3A_981, %get3A_982] : memref<1x256x9xi32, #tpu.memory_space<smem>>
      %get3A_984 = arith.index_cast %get3A_983 : i32 to index
      %get3A_985 = arith.constant 0 : index
      %get3A_986 = vector.load %arg2[%get3A_984, %get3A_985] : memref<50000x128xf32, #tpu.memory_space<vmem>>, vector<1x128xf32>
      %add3A_987 = arith.constant 6 : i32
      %add3A_988 = arith.addi %mul3A_704, %add3A_987 : i32
      %get3A_989 = arith.constant 0 : index
      %get3A_990 = arith.index_cast %add3A_988 : i32 to index
      %get3A_991 = arith.constant 3 : index
      %get3A_992 = memref.load %arg1[%get3A_989, %get3A_990, %get3A_991] : memref<1x256x9xi32, #tpu.memory_space<smem>>
      %get3A_993 = arith.index_cast %get3A_992 : i32 to index
      %get3A_994 = arith.constant 0 : index
      %get3A_995 = vector.load %arg2[%get3A_993, %get3A_994] : memref<50000x128xf32, #tpu.memory_space<vmem>>, vector<1x128xf32>
      %add3A_996 = arith.constant 7 : i32
      %add3A_997 = arith.addi %mul3A_704, %add3A_996 : i32
      %get3A_998 = arith.constant 0 : index
      %get3A_999 = arith.index_cast %add3A_997 : i32 to index
      %get3A_1000 = arith.constant 3 : index
      %get3A_1001 = memref.load %arg1[%get3A_998, %get3A_999, %get3A_1000] : memref<1x256x9xi32, #tpu.memory_space<smem>>
      %get3A_1002 = arith.index_cast %get3A_1001 : i32 to index
      %get3A_1003 = arith.constant 0 : index
      %get3A_1004 = vector.load %arg2[%get3A_1002, %get3A_1003] : memref<50000x128xf32, #tpu.memory_space<vmem>>, vector<1x128xf32>
      %concatenate3A_1005 = tpu.concatenate %get3A_941, %get3A_950, %get3A_959, %get3A_968, %get3A_977, %get3A_986, %get3A_995, %get3A_1004 in 0 : vector<1x128xf32>, vector<1x128xf32>, vector<1x128xf32>, vector<1x128xf32>, vector<1x128xf32>, vector<1x128xf32>, vector<1x128xf32>, vector<1x128xf32> -> vector<8x128xf32>
      %swap3A_1006 = arith.index_cast %mul3A_704 : i32 to index
      %swap3A_1007 = arith.constant 384 : index
      %swap3A_1008 = vector.load %arg6[%swap3A_1006, %swap3A_1007] : memref<256x1152xf32, #tpu.memory_space<vmem>>, vector<8x128xf32>
      tpu.vector_store %arg6[%swap3A_1006, %swap3A_1007], %concatenate3A_1005 {strides = array<i32>} : memref<256x1152xf32, #tpu.memory_space<vmem>>, vector<8x128xf32>,
      %add3A_1009 = arith.constant 0 : i32
      %add3A_1010 = arith.addi %mul3A_704, %add3A_1009 : i32
      %get3A_1011 = arith.constant 0 : index
      %get3A_1012 = arith.index_cast %add3A_1010 : i32 to index
      %get3A_1013 = arith.constant 4 : index
      %get3A_1014 = memref.load %arg1[%get3A_1011, %get3A_1012, %get3A_1013] : memref<1x256x9xi32, #tpu.memory_space<smem>>
      %get3A_1015 = arith.index_cast %get3A_1014 : i32 to index
      %get3A_1016 = arith.constant 0 : index
      %get3A_1017 = vector.load %arg2[%get3A_1015, %get3A_1016] : memref<50000x128xf32, #tpu.memory_space<vmem>>, vector<1x128xf32>
      %add3A_1018 = arith.constant 1 : i32
      %add3A_1019 = arith.addi %mul3A_704, %add3A_1018 : i32
      %get3A_1020 = arith.constant 0 : index
      %get3A_1021 = arith.index_cast %add3A_1019 : i32 to index
      %get3A_1022 = arith.constant 4 : index
      %get3A_1023 = memref.load %arg1[%get3A_1020, %get3A_1021, %get3A_1022] : memref<1x256x9xi32, #tpu.memory_space<smem>>
      %get3A_1024 = arith.index_cast %get3A_1023 : i32 to index
      %get3A_1025 = arith.constant 0 : index
      %get3A_1026 = vector.load %arg2[%get3A_1024, %get3A_1025] : memref<50000x128xf32, #tpu.memory_space<vmem>>, vector<1x128xf32>
      %add3A_1027 = arith.constant 2 : i32
      %add3A_1028 = arith.addi %mul3A_704, %add3A_1027 : i32
      %get3A_1029 = arith.constant 0 : index
      %get3A_1030 = arith.index_cast %add3A_1028 : i32 to index
      %get3A_1031 = arith.constant 4 : index
      %get3A_1032 = memref.load %arg1[%get3A_1029, %get3A_1030, %get3A_1031] : memref<1x256x9xi32, #tpu.memory_space<smem>>
      %get3A_1033 = arith.index_cast %get3A_1032 : i32 to index
      %get3A_1034 = arith.constant 0 : index
      %get3A_1035 = vector.load %arg2[%get3A_1033, %get3A_1034] : memref<50000x128xf32, #tpu.memory_space<vmem>>, vector<1x128xf32>
      %add3A_1036 = arith.constant 3 : i32
      %add3A_1037 = arith.addi %mul3A_704, %add3A_1036 : i32
      %get3A_1038 = arith.constant 0 : index
      %get3A_1039 = arith.index_cast %add3A_1037 : i32 to index
      %get3A_1040 = arith.constant 4 : index
      %get3A_1041 = memref.load %arg1[%get3A_1038, %get3A_1039, %get3A_1040] : memref<1x256x9xi32, #tpu.memory_space<smem>>
      %get3A_1042 = arith.index_cast %get3A_1041 : i32 to index
      %get3A_1043 = arith.constant 0 : index
      %get3A_1044 = vector.load %arg2[%get3A_1042, %get3A_1043] : memref<50000x128xf32, #tpu.memory_space<vmem>>, vector<1x128xf32>
      %add3A_1045 = arith.constant 4 : i32
      %add3A_1046 = arith.addi %mul3A_704, %add3A_1045 : i32
      %get3A_1047 = arith.constant 0 : index
      %get3A_1048 = arith.index_cast %add3A_1046 : i32 to index
      %get3A_1049 = arith.constant 4 : index
      %get3A_1050 = memref.load %arg1[%get3A_1047, %get3A_1048, %get3A_1049] : memref<1x256x9xi32, #tpu.memory_space<smem>>
      %get3A_1051 = arith.index_cast %get3A_1050 : i32 to index
      %get3A_1052 = arith.constant 0 : index
      %get3A_1053 = vector.load %arg2[%get3A_1051, %get3A_1052] : memref<50000x128xf32, #tpu.memory_space<vmem>>, vector<1x128xf32>
      %add3A_1054 = arith.constant 5 : i32
      %add3A_1055 = arith.addi %mul3A_704, %add3A_1054 : i32
      %get3A_1056 = arith.constant 0 : index
      %get3A_1057 = arith.index_cast %add3A_1055 : i32 to index
      %get3A_1058 = arith.constant 4 : index
      %get3A_1059 = memref.load %arg1[%get3A_1056, %get3A_1057, %get3A_1058] : memref<1x256x9xi32, #tpu.memory_space<smem>>
      %get3A_1060 = arith.index_cast %get3A_1059 : i32 to index
      %get3A_1061 = arith.constant 0 : index
      %get3A_1062 = vector.load %arg2[%get3A_1060, %get3A_1061] : memref<50000x128xf32, #tpu.memory_space<vmem>>, vector<1x128xf32>
      %add3A_1063 = arith.constant 6 : i32
      %add3A_1064 = arith.addi %mul3A_704, %add3A_1063 : i32
      %get3A_1065 = arith.constant 0 : index
      %get3A_1066 = arith.index_cast %add3A_1064 : i32 to index
      %get3A_1067 = arith.constant 4 : index
      %get3A_1068 = memref.load %arg1[%get3A_1065, %get3A_1066, %get3A_1067] : memref<1x256x9xi32, #tpu.memory_space<smem>>
      %get3A_1069 = arith.index_cast %get3A_1068 : i32 to index
      %get3A_1070 = arith.constant 0 : index
      %get3A_1071 = vector.load %arg2[%get3A_1069, %get3A_1070] : memref<50000x128xf32, #tpu.memory_space<vmem>>, vector<1x128xf32>
      %add3A_1072 = arith.constant 7 : i32
      %add3A_1073 = arith.addi %mul3A_704, %add3A_1072 : i32
      %get3A_1074 = arith.constant 0 : index
      %get3A_1075 = arith.index_cast %add3A_1073 : i32 to index
      %get3A_1076 = arith.constant 4 : index
      %get3A_1077 = memref.load %arg1[%get3A_1074, %get3A_1075, %get3A_1076] : memref<1x256x9xi32, #tpu.memory_space<smem>>
      %get3A_1078 = arith.index_cast %get3A_1077 : i32 to index
      %get3A_1079 = arith.constant 0 : index
      %get3A_1080 = vector.load %arg2[%get3A_1078, %get3A_1079] : memref<50000x128xf32, #tpu.memory_space<vmem>>, vector<1x128xf32>
      %concatenate3A_1081 = tpu.concatenate %get3A_1017, %get3A_1026, %get3A_1035, %get3A_1044, %get3A_1053, %get3A_1062, %get3A_1071, %get3A_1080 in 0 : vector<1x128xf32>, vector<1x128xf32>, vector<1x128xf32>, vector<1x128xf32>, vector<1x128xf32>, vector<1x128xf32>, vector<1x128xf32>, vector<1x128xf32> -> vector<8x128xf32>
      %swap3A_1082 = arith.index_cast %mul3A_704 : i32 to index
      %swap3A_1083 = arith.constant 512 : index
      %swap3A_1084 = vector.load %arg6[%swap3A_1082, %swap3A_1083] : memref<256x1152xf32, #tpu.memory_space<vmem>>, vector<8x128xf32>
      tpu.vector_store %arg6[%swap3A_1082, %swap3A_1083], %concatenate3A_1081 {strides = array<i32>} : memref<256x1152xf32, #tpu.memory_space<vmem>>, vector<8x128xf32>,
      %add3A_1085 = arith.constant 0 : i32
      %add3A_1086 = arith.addi %mul3A_704, %add3A_1085 : i32
      %get3A_1087 = arith.constant 0 : index
      %get3A_1088 = arith.index_cast %add3A_1086 : i32 to index
      %get3A_1089 = arith.constant 5 : index
      %get3A_1090 = memref.load %arg1[%get3A_1087, %get3A_1088, %get3A_1089] : memref<1x256x9xi32, #tpu.memory_space<smem>>
      %get3A_1091 = arith.index_cast %get3A_1090 : i32 to index
      %get3A_1092 = arith.constant 0 : index
      %get3A_1093 = vector.load %arg2[%get3A_1091, %get3A_1092] : memref<50000x128xf32, #tpu.memory_space<vmem>>, vector<1x128xf32>
      %add3A_1094 = arith.constant 1 : i32
      %add3A_1095 = arith.addi %mul3A_704, %add3A_1094 : i32
      %get3A_1096 = arith.constant 0 : index
      %get3A_1097 = arith.index_cast %add3A_1095 : i32 to index
      %get3A_1098 = arith.constant 5 : index
      %get3A_1099 = memref.load %arg1[%get3A_1096, %get3A_1097, %get3A_1098] : memref<1x256x9xi32, #tpu.memory_space<smem>>
      %get3A_1100 = arith.index_cast %get3A_1099 : i32 to index
      %get3A_1101 = arith.constant 0 : index
      %get3A_1102 = vector.load %arg2[%get3A_1100, %get3A_1101] : memref<50000x128xf32, #tpu.memory_space<vmem>>, vector<1x128xf32>
      %add3A_1103 = arith.constant 2 : i32
      %add3A_1104 = arith.addi %mul3A_704, %add3A_1103 : i32
      %get3A_1105 = arith.constant 0 : index
      %get3A_1106 = arith.index_cast %add3A_1104 : i32 to index
      %get3A_1107 = arith.constant 5 : index
      %get3A_1108 = memref.load %arg1[%get3A_1105, %get3A_1106, %get3A_1107] : memref<1x256x9xi32, #tpu.memory_space<smem>>
      %get3A_1109 = arith.index_cast %get3A_1108 : i32 to index
      %get3A_1110 = arith.constant 0 : index
      %get3A_1111 = vector.load %arg2[%get3A_1109, %get3A_1110] : memref<50000x128xf32, #tpu.memory_space<vmem>>, vector<1x128xf32>
      %add3A_1112 = arith.constant 3 : i32
      %add3A_1113 = arith.addi %mul3A_704, %add3A_1112 : i32
      %get3A_1114 = arith.constant 0 : index
      %get3A_1115 = arith.index_cast %add3A_1113 : i32 to index
      %get3A_1116 = arith.constant 5 : index
      %get3A_1117 = memref.load %arg1[%get3A_1114, %get3A_1115, %get3A_1116] : memref<1x256x9xi32, #tpu.memory_space<smem>>
      %get3A_1118 = arith.index_cast %get3A_1117 : i32 to index
      %get3A_1119 = arith.constant 0 : index
      %get3A_1120 = vector.load %arg2[%get3A_1118, %get3A_1119] : memref<50000x128xf32, #tpu.memory_space<vmem>>, vector<1x128xf32>
      %add3A_1121 = arith.constant 4 : i32
      %add3A_1122 = arith.addi %mul3A_704, %add3A_1121 : i32
      %get3A_1123 = arith.constant 0 : index
      %get3A_1124 = arith.index_cast %add3A_1122 : i32 to index
      %get3A_1125 = arith.constant 5 : index
      %get3A_1126 = memref.load %arg1[%get3A_1123, %get3A_1124, %get3A_1125] : memref<1x256x9xi32, #tpu.memory_space<smem>>
      %get3A_1127 = arith.index_cast %get3A_1126 : i32 to index
      %get3A_1128 = arith.constant 0 : index
      %get3A_1129 = vector.load %arg2[%get3A_1127, %get3A_1128] : memref<50000x128xf32, #tpu.memory_space<vmem>>, vector<1x128xf32>
      %add3A_1130 = arith.constant 5 : i32
      %add3A_1131 = arith.addi %mul3A_704, %add3A_1130 : i32
      %get3A_1132 = arith.constant 0 : index
      %get3A_1133 = arith.index_cast %add3A_1131 : i32 to index
      %get3A_1134 = arith.constant 5 : index
      %get3A_1135 = memref.load %arg1[%get3A_1132, %get3A_1133, %get3A_1134] : memref<1x256x9xi32, #tpu.memory_space<smem>>
      %get3A_1136 = arith.index_cast %get3A_1135 : i32 to index
      %get3A_1137 = arith.constant 0 : index
      %get3A_1138 = vector.load %arg2[%get3A_1136, %get3A_1137] : memref<50000x128xf32, #tpu.memory_space<vmem>>, vector<1x128xf32>
      %add3A_1139 = arith.constant 6 : i32
      %add3A_1140 = arith.addi %mul3A_704, %add3A_1139 : i32
      %get3A_1141 = arith.constant 0 : index
      %get3A_1142 = arith.index_cast %add3A_1140 : i32 to index
      %get3A_1143 = arith.constant 5 : index
      %get3A_1144 = memref.load %arg1[%get3A_1141, %get3A_1142, %get3A_1143] : memref<1x256x9xi32, #tpu.memory_space<smem>>
      %get3A_1145 = arith.index_cast %get3A_1144 : i32 to index
      %get3A_1146 = arith.constant 0 : index
      %get3A_1147 = vector.load %arg2[%get3A_1145, %get3A_1146] : memref<50000x128xf32, #tpu.memory_space<vmem>>, vector<1x128xf32>
      %add3A_1148 = arith.constant 7 : i32
      %add3A_1149 = arith.addi %mul3A_704, %add3A_1148 : i32
      %get3A_1150 = arith.constant 0 : index
      %get3A_1151 = arith.index_cast %add3A_1149 : i32 to index
      %get3A_1152 = arith.constant 5 : index
      %get3A_1153 = memref.load %arg1[%get3A_1150, %get3A_1151, %get3A_1152] : memref<1x256x9xi32, #tpu.memory_space<smem>>
      %get3A_1154 = arith.index_cast %get3A_1153 : i32 to index
      %get3A_1155 = arith.constant 0 : index
      %get3A_1156 = vector.load %arg2[%get3A_1154, %get3A_1155] : memref<50000x128xf32, #tpu.memory_space<vmem>>, vector<1x128xf32>
      %concatenate3A_1157 = tpu.concatenate %get3A_1093, %get3A_1102, %get3A_1111, %get3A_1120, %get3A_1129, %get3A_1138, %get3A_1147, %get3A_1156 in 0 : vector<1x128xf32>, vector<1x128xf32>, vector<1x128xf32>, vector<1x128xf32>, vector<1x128xf32>, vector<1x128xf32>, vector<1x128xf32>, vector<1x128xf32> -> vector<8x128xf32>
      %swap3A_1158 = arith.index_cast %mul3A_704 : i32 to index
      %swap3A_1159 = arith.constant 640 : index
      %swap3A_1160 = vector.load %arg6[%swap3A_1158, %swap3A_1159] : memref<256x1152xf32, #tpu.memory_space<vmem>>, vector<8x128xf32>
      tpu.vector_store %arg6[%swap3A_1158, %swap3A_1159], %concatenate3A_1157 {strides = array<i32>} : memref<256x1152xf32, #tpu.memory_space<vmem>>, vector<8x128xf32>,
      %add3A_1161 = arith.constant 0 : i32
      %add3A_1162 = arith.addi %mul3A_704, %add3A_1161 : i32
      %get3A_1163 = arith.constant 0 : index
      %get3A_1164 = arith.index_cast %add3A_1162 : i32 to index
      %get3A_1165 = arith.constant 6 : index
      %get3A_1166 = memref.load %arg1[%get3A_1163, %get3A_1164, %get3A_1165] : memref<1x256x9xi32, #tpu.memory_space<smem>>
      %get3A_1167 = arith.index_cast %get3A_1166 : i32 to index
      %get3A_1168 = arith.constant 0 : index
      %get3A_1169 = vector.load %arg2[%get3A_1167, %get3A_1168] : memref<50000x128xf32, #tpu.memory_space<vmem>>, vector<1x128xf32>
      %add3A_1170 = arith.constant 1 : i32
      %add3A_1171 = arith.addi %mul3A_704, %add3A_1170 : i32
      %get3A_1172 = arith.constant 0 : index
      %get3A_1173 = arith.index_cast %add3A_1171 : i32 to index
      %get3A_1174 = arith.constant 6 : index
      %get3A_1175 = memref.load %arg1[%get3A_1172, %get3A_1173, %get3A_1174] : memref<1x256x9xi32, #tpu.memory_space<smem>>
      %get3A_1176 = arith.index_cast %get3A_1175 : i32 to index
      %get3A_1177 = arith.constant 0 : index
      %get3A_1178 = vector.load %arg2[%get3A_1176, %get3A_1177] : memref<50000x128xf32, #tpu.memory_space<vmem>>, vector<1x128xf32>
      %add3A_1179 = arith.constant 2 : i32
      %add3A_1180 = arith.addi %mul3A_704, %add3A_1179 : i32
      %get3A_1181 = arith.constant 0 : index
      %get3A_1182 = arith.index_cast %add3A_1180 : i32 to index
      %get3A_1183 = arith.constant 6 : index
      %get3A_1184 = memref.load %arg1[%get3A_1181, %get3A_1182, %get3A_1183] : memref<1x256x9xi32, #tpu.memory_space<smem>>
      %get3A_1185 = arith.index_cast %get3A_1184 : i32 to index
      %get3A_1186 = arith.constant 0 : index
      %get3A_1187 = vector.load %arg2[%get3A_1185, %get3A_1186] : memref<50000x128xf32, #tpu.memory_space<vmem>>, vector<1x128xf32>
      %add3A_1188 = arith.constant 3 : i32
      %add3A_1189 = arith.addi %mul3A_704, %add3A_1188 : i32
      %get3A_1190 = arith.constant 0 : index
      %get3A_1191 = arith.index_cast %add3A_1189 : i32 to index
      %get3A_1192 = arith.constant 6 : index
      %get3A_1193 = memref.load %arg1[%get3A_1190, %get3A_1191, %get3A_1192] : memref<1x256x9xi32, #tpu.memory_space<smem>>
      %get3A_1194 = arith.index_cast %get3A_1193 : i32 to index
      %get3A_1195 = arith.constant 0 : index
      %get3A_1196 = vector.load %arg2[%get3A_1194, %get3A_1195] : memref<50000x128xf32, #tpu.memory_space<vmem>>, vector<1x128xf32>
      %add3A_1197 = arith.constant 4 : i32
      %add3A_1198 = arith.addi %mul3A_704, %add3A_1197 : i32
      %get3A_1199 = arith.constant 0 : index
      %get3A_1200 = arith.index_cast %add3A_1198 : i32 to index
      %get3A_1201 = arith.constant 6 : index
      %get3A_1202 = memref.load %arg1[%get3A_1199, %get3A_1200, %get3A_1201] : memref<1x256x9xi32, #tpu.memory_space<smem>>
      %get3A_1203 = arith.index_cast %get3A_1202 : i32 to index
      %get3A_1204 = arith.constant 0 : index
      %get3A_1205 = vector.load %arg2[%get3A_1203, %get3A_1204] : memref<50000x128xf32, #tpu.memory_space<vmem>>, vector<1x128xf32>
      %add3A_1206 = arith.constant 5 : i32
      %add3A_1207 = arith.addi %mul3A_704, %add3A_1206 : i32
      %get3A_1208 = arith.constant 0 : index
      %get3A_1209 = arith.index_cast %add3A_1207 : i32 to index
      %get3A_1210 = arith.constant 6 : index
      %get3A_1211 = memref.load %arg1[%get3A_1208, %get3A_1209, %get3A_1210] : memref<1x256x9xi32, #tpu.memory_space<smem>>
      %get3A_1212 = arith.index_cast %get3A_1211 : i32 to index
      %get3A_1213 = arith.constant 0 : index
      %get3A_1214 = vector.load %arg2[%get3A_1212, %get3A_1213] : memref<50000x128xf32, #tpu.memory_space<vmem>>, vector<1x128xf32>
      %add3A_1215 = arith.constant 6 : i32
      %add3A_1216 = arith.addi %mul3A_704, %add3A_1215 : i32
      %get3A_1217 = arith.constant 0 : index
      %get3A_1218 = arith.index_cast %add3A_1216 : i32 to index
      %get3A_1219 = arith.constant 6 : index
      %get3A_1220 = memref.load %arg1[%get3A_1217, %get3A_1218, %get3A_1219] : memref<1x256x9xi32, #tpu.memory_space<smem>>
      %get3A_1221 = arith.index_cast %get3A_1220 : i32 to index
      %get3A_1222 = arith.constant 0 : index
      %get3A_1223 = vector.load %arg2[%get3A_1221, %get3A_1222] : memref<50000x128xf32, #tpu.memory_space<vmem>>, vector<1x128xf32>
      %add3A_1224 = arith.constant 7 : i32
      %add3A_1225 = arith.addi %mul3A_704, %add3A_1224 : i32
      %get3A_1226 = arith.constant 0 : index
      %get3A_1227 = arith.index_cast %add3A_1225 : i32 to index
      %get3A_1228 = arith.constant 6 : index
      %get3A_1229 = memref.load %arg1[%get3A_1226, %get3A_1227, %get3A_1228] : memref<1x256x9xi32, #tpu.memory_space<smem>>
      %get3A_1230 = arith.index_cast %get3A_1229 : i32 to index
      %get3A_1231 = arith.constant 0 : index
      %get3A_1232 = vector.load %arg2[%get3A_1230, %get3A_1231] : memref<50000x128xf32, #tpu.memory_space<vmem>>, vector<1x128xf32>
      %concatenate3A_1233 = tpu.concatenate %get3A_1169, %get3A_1178, %get3A_1187, %get3A_1196, %get3A_1205, %get3A_1214, %get3A_1223, %get3A_1232 in 0 : vector<1x128xf32>, vector<1x128xf32>, vector<1x128xf32>, vector<1x128xf32>, vector<1x128xf32>, vector<1x128xf32>, vector<1x128xf32>, vector<1x128xf32> -> vector<8x128xf32>
      %swap3A_1234 = arith.index_cast %mul3A_704 : i32 to index
      %swap3A_1235 = arith.constant 768 : index
      %swap3A_1236 = vector.load %arg6[%swap3A_1234, %swap3A_1235] : memref<256x1152xf32, #tpu.memory_space<vmem>>, vector<8x128xf32>
      tpu.vector_store %arg6[%swap3A_1234, %swap3A_1235], %concatenate3A_1233 {strides = array<i32>} : memref<256x1152xf32, #tpu.memory_space<vmem>>, vector<8x128xf32>,
      %add3A_1237 = arith.constant 0 : i32
      %add3A_1238 = arith.addi %mul3A_704, %add3A_1237 : i32
      %get3A_1239 = arith.constant 0 : index
      %get3A_1240 = arith.index_cast %add3A_1238 : i32 to index
      %get3A_1241 = arith.constant 7 : index
      %get3A_1242 = memref.load %arg1[%get3A_1239, %get3A_1240, %get3A_1241] : memref<1x256x9xi32, #tpu.memory_space<smem>>
      %get3A_1243 = arith.index_cast %get3A_1242 : i32 to index
      %get3A_1244 = arith.constant 0 : index
      %get3A_1245 = vector.load %arg2[%get3A_1243, %get3A_1244] : memref<50000x128xf32, #tpu.memory_space<vmem>>, vector<1x128xf32>
      %add3A_1246 = arith.constant 1 : i32
      %add3A_1247 = arith.addi %mul3A_704, %add3A_1246 : i32
      %get3A_1248 = arith.constant 0 : index
      %get3A_1249 = arith.index_cast %add3A_1247 : i32 to index
      %get3A_1250 = arith.constant 7 : index
      %get3A_1251 = memref.load %arg1[%get3A_1248, %get3A_1249, %get3A_1250] : memref<1x256x9xi32, #tpu.memory_space<smem>>
      %get3A_1252 = arith.index_cast %get3A_1251 : i32 to index
      %get3A_1253 = arith.constant 0 : index
      %get3A_1254 = vector.load %arg2[%get3A_1252, %get3A_1253] : memref<50000x128xf32, #tpu.memory_space<vmem>>, vector<1x128xf32>
      %add3A_1255 = arith.constant 2 : i32
      %add3A_1256 = arith.addi %mul3A_704, %add3A_1255 : i32
      %get3A_1257 = arith.constant 0 : index
      %get3A_1258 = arith.index_cast %add3A_1256 : i32 to index
      %get3A_1259 = arith.constant 7 : index
      %get3A_1260 = memref.load %arg1[%get3A_1257, %get3A_1258, %get3A_1259] : memref<1x256x9xi32, #tpu.memory_space<smem>>
      %get3A_1261 = arith.index_cast %get3A_1260 : i32 to index
      %get3A_1262 = arith.constant 0 : index
      %get3A_1263 = vector.load %arg2[%get3A_1261, %get3A_1262] : memref<50000x128xf32, #tpu.memory_space<vmem>>, vector<1x128xf32>
      %add3A_1264 = arith.constant 3 : i32
      %add3A_1265 = arith.addi %mul3A_704, %add3A_1264 : i32
      %get3A_1266 = arith.constant 0 : index
      %get3A_1267 = arith.index_cast %add3A_1265 : i32 to index
      %get3A_1268 = arith.constant 7 : index
      %get3A_1269 = memref.load %arg1[%get3A_1266, %get3A_1267, %get3A_1268] : memref<1x256x9xi32, #tpu.memory_space<smem>>
      %get3A_1270 = arith.index_cast %get3A_1269 : i32 to index
      %get3A_1271 = arith.constant 0 : index
      %get3A_1272 = vector.load %arg2[%get3A_1270, %get3A_1271] : memref<50000x128xf32, #tpu.memory_space<vmem>>, vector<1x128xf32>
      %add3A_1273 = arith.constant 4 : i32
      %add3A_1274 = arith.addi %mul3A_704, %add3A_1273 : i32
      %get3A_1275 = arith.constant 0 : index
      %get3A_1276 = arith.index_cast %add3A_1274 : i32 to index
      %get3A_1277 = arith.constant 7 : index
      %get3A_1278 = memref.load %arg1[%get3A_1275, %get3A_1276, %get3A_1277] : memref<1x256x9xi32, #tpu.memory_space<smem>>
      %get3A_1279 = arith.index_cast %get3A_1278 : i32 to index
      %get3A_1280 = arith.constant 0 : index
      %get3A_1281 = vector.load %arg2[%get3A_1279, %get3A_1280] : memref<50000x128xf32, #tpu.memory_space<vmem>>, vector<1x128xf32>
      %add3A_1282 = arith.constant 5 : i32
      %add3A_1283 = arith.addi %mul3A_704, %add3A_1282 : i32
      %get3A_1284 = arith.constant 0 : index
      %get3A_1285 = arith.index_cast %add3A_1283 : i32 to index
      %get3A_1286 = arith.constant 7 : index
      %get3A_1287 = memref.load %arg1[%get3A_1284, %get3A_1285, %get3A_1286] : memref<1x256x9xi32, #tpu.memory_space<smem>>
      %get3A_1288 = arith.index_cast %get3A_1287 : i32 to index
      %get3A_1289 = arith.constant 0 : index
      %get3A_1290 = vector.load %arg2[%get3A_1288, %get3A_1289] : memref<50000x128xf32, #tpu.memory_space<vmem>>, vector<1x128xf32>
      %add3A_1291 = arith.constant 6 : i32
      %add3A_1292 = arith.addi %mul3A_704, %add3A_1291 : i32
      %get3A_1293 = arith.constant 0 : index
      %get3A_1294 = arith.index_cast %add3A_1292 : i32 to index
      %get3A_1295 = arith.constant 7 : index
      %get3A_1296 = memref.load %arg1[%get3A_1293, %get3A_1294, %get3A_1295] : memref<1x256x9xi32, #tpu.memory_space<smem>>
      %get3A_1297 = arith.index_cast %get3A_1296 : i32 to index
      %get3A_1298 = arith.constant 0 : index
      %get3A_1299 = vector.load %arg2[%get3A_1297, %get3A_1298] : memref<50000x128xf32, #tpu.memory_space<vmem>>, vector<1x128xf32>
      %add3A_1300 = arith.constant 7 : i32
      %add3A_1301 = arith.addi %mul3A_704, %add3A_1300 : i32
      %get3A_1302 = arith.constant 0 : index
      %get3A_1303 = arith.index_cast %add3A_1301 : i32 to index
      %get3A_1304 = arith.constant 7 : index
      %get3A_1305 = memref.load %arg1[%get3A_1302, %get3A_1303, %get3A_1304] : memref<1x256x9xi32, #tpu.memory_space<smem>>
      %get3A_1306 = arith.index_cast %get3A_1305 : i32 to index
      %get3A_1307 = arith.constant 0 : index
      %get3A_1308 = vector.load %arg2[%get3A_1306, %get3A_1307] : memref<50000x128xf32, #tpu.memory_space<vmem>>, vector<1x128xf32>
      %concatenate3A_1309 = tpu.concatenate %get3A_1245, %get3A_1254, %get3A_1263, %get3A_1272, %get3A_1281, %get3A_1290, %get3A_1299, %get3A_1308 in 0 : vector<1x128xf32>, vector<1x128xf32>, vector<1x128xf32>, vector<1x128xf32>, vector<1x128xf32>, vector<1x128xf32>, vector<1x128xf32>, vector<1x128xf32> -> vector<8x128xf32>
      %swap3A_1310 = arith.index_cast %mul3A_704 : i32 to index
      %swap3A_1311 = arith.constant 896 : index
      %swap3A_1312 = vector.load %arg6[%swap3A_1310, %swap3A_1311] : memref<256x1152xf32, #tpu.memory_space<vmem>>, vector<8x128xf32>
      tpu.vector_store %arg6[%swap3A_1310, %swap3A_1311], %concatenate3A_1309 {strides = array<i32>} : memref<256x1152xf32, #tpu.memory_space<vmem>>, vector<8x128xf32>,
      %add3A_1313 = arith.constant 0 : i32
      %add3A_1314 = arith.addi %mul3A_704, %add3A_1313 : i32
      %get3A_1315 = arith.constant 0 : index
      %get3A_1316 = arith.index_cast %add3A_1314 : i32 to index
      %get3A_1317 = arith.constant 8 : index
      %get3A_1318 = memref.load %arg1[%get3A_1315, %get3A_1316, %get3A_1317] : memref<1x256x9xi32, #tpu.memory_space<smem>>
      %get3A_1319 = arith.index_cast %get3A_1318 : i32 to index
      %get3A_1320 = arith.constant 0 : index
      %get3A_1321 = vector.load %arg2[%get3A_1319, %get3A_1320] : memref<50000x128xf32, #tpu.memory_space<vmem>>, vector<1x128xf32>
      %add3A_1322 = arith.constant 1 : i32
      %add3A_1323 = arith.addi %mul3A_704, %add3A_1322 : i32
      %get3A_1324 = arith.constant 0 : index
      %get3A_1325 = arith.index_cast %add3A_1323 : i32 to index
      %get3A_1326 = arith.constant 8 : index
      %get3A_1327 = memref.load %arg1[%get3A_1324, %get3A_1325, %get3A_1326] : memref<1x256x9xi32, #tpu.memory_space<smem>>
      %get3A_1328 = arith.index_cast %get3A_1327 : i32 to index
      %get3A_1329 = arith.constant 0 : index
      %get3A_1330 = vector.load %arg2[%get3A_1328, %get3A_1329] : memref<50000x128xf32, #tpu.memory_space<vmem>>, vector<1x128xf32>
      %add3A_1331 = arith.constant 2 : i32
      %add3A_1332 = arith.addi %mul3A_704, %add3A_1331 : i32
      %get3A_1333 = arith.constant 0 : index
      %get3A_1334 = arith.index_cast %add3A_1332 : i32 to index
      %get3A_1335 = arith.constant 8 : index
      %get3A_1336 = memref.load %arg1[%get3A_1333, %get3A_1334, %get3A_1335] : memref<1x256x9xi32, #tpu.memory_space<smem>>
      %get3A_1337 = arith.index_cast %get3A_1336 : i32 to index
      %get3A_1338 = arith.constant 0 : index
      %get3A_1339 = vector.load %arg2[%get3A_1337, %get3A_1338] : memref<50000x128xf32, #tpu.memory_space<vmem>>, vector<1x128xf32>
      %add3A_1340 = arith.constant 3 : i32
      %add3A_1341 = arith.addi %mul3A_704, %add3A_1340 : i32
      %get3A_1342 = arith.constant 0 : index
      %get3A_1343 = arith.index_cast %add3A_1341 : i32 to index
      %get3A_1344 = arith.constant 8 : index
      %get3A_1345 = memref.load %arg1[%get3A_1342, %get3A_1343, %get3A_1344] : memref<1x256x9xi32, #tpu.memory_space<smem>>
      %get3A_1346 = arith.index_cast %get3A_1345 : i32 to index
      %get3A_1347 = arith.constant 0 : index
      %get3A_1348 = vector.load %arg2[%get3A_1346, %get3A_1347] : memref<50000x128xf32, #tpu.memory_space<vmem>>, vector<1x128xf32>
      %add3A_1349 = arith.constant 4 : i32
      %add3A_1350 = arith.addi %mul3A_704, %add3A_1349 : i32
      %get3A_1351 = arith.constant 0 : index
      %get3A_1352 = arith.index_cast %add3A_1350 : i32 to index
      %get3A_1353 = arith.constant 8 : index
      %get3A_1354 = memref.load %arg1[%get3A_1351, %get3A_1352, %get3A_1353] : memref<1x256x9xi32, #tpu.memory_space<smem>>
      %get3A_1355 = arith.index_cast %get3A_1354 : i32 to index
      %get3A_1356 = arith.constant 0 : index
      %get3A_1357 = vector.load %arg2[%get3A_1355, %get3A_1356] : memref<50000x128xf32, #tpu.memory_space<vmem>>, vector<1x128xf32>
      %add3A_1358 = arith.constant 5 : i32
      %add3A_1359 = arith.addi %mul3A_704, %add3A_1358 : i32
      %get3A_1360 = arith.constant 0 : index
      %get3A_1361 = arith.index_cast %add3A_1359 : i32 to index
      %get3A_1362 = arith.constant 8 : index
      %get3A_1363 = memref.load %arg1[%get3A_1360, %get3A_1361, %get3A_1362] : memref<1x256x9xi32, #tpu.memory_space<smem>>
      %get3A_1364 = arith.index_cast %get3A_1363 : i32 to index
      %get3A_1365 = arith.constant 0 : index
      %get3A_1366 = vector.load %arg2[%get3A_1364, %get3A_1365] : memref<50000x128xf32, #tpu.memory_space<vmem>>, vector<1x128xf32>
      %add3A_1367 = arith.constant 6 : i32
      %add3A_1368 = arith.addi %mul3A_704, %add3A_1367 : i32
      %get3A_1369 = arith.constant 0 : index
      %get3A_1370 = arith.index_cast %add3A_1368 : i32 to index
      %get3A_1371 = arith.constant 8 : index
      %get3A_1372 = memref.load %arg1[%get3A_1369, %get3A_1370, %get3A_1371] : memref<1x256x9xi32, #tpu.memory_space<smem>>
      %get3A_1373 = arith.index_cast %get3A_1372 : i32 to index
      %get3A_1374 = arith.constant 0 : index
      %get3A_1375 = vector.load %arg2[%get3A_1373, %get3A_1374] : memref<50000x128xf32, #tpu.memory_space<vmem>>, vector<1x128xf32>
      %add3A_1376 = arith.constant 7 : i32
      %add3A_1377 = arith.addi %mul3A_704, %add3A_1376 : i32
      %get3A_1378 = arith.constant 0 : index
      %get3A_1379 = arith.index_cast %add3A_1377 : i32 to index
      %get3A_1380 = arith.constant 8 : index
      %get3A_1381 = memref.load %arg1[%get3A_1378, %get3A_1379, %get3A_1380] : memref<1x256x9xi32, #tpu.memory_space<smem>>
      %get3A_1382 = arith.index_cast %get3A_1381 : i32 to index
      %get3A_1383 = arith.constant 0 : index
      %get3A_1384 = vector.load %arg2[%get3A_1382, %get3A_1383] : memref<50000x128xf32, #tpu.memory_space<vmem>>, vector<1x128xf32>
      %concatenate3A_1385 = tpu.concatenate %get3A_1321, %get3A_1330, %get3A_1339, %get3A_1348, %get3A_1357, %get3A_1366, %get3A_1375, %get3A_1384 in 0 : vector<1x128xf32>, vector<1x128xf32>, vector<1x128xf32>, vector<1x128xf32>, vector<1x128xf32>, vector<1x128xf32>, vector<1x128xf32>, vector<1x128xf32> -> vector<8x128xf32>
      %swap3A_1386 = arith.index_cast %mul3A_704 : i32 to index
      %swap3A_1387 = arith.constant 1024 : index
      %swap3A_1388 = vector.load %arg6[%swap3A_1386, %swap3A_1387] : memref<256x1152xf32, #tpu.memory_space<vmem>>, vector<8x128xf32>
      tpu.vector_store %arg6[%swap3A_1386, %swap3A_1387], %concatenate3A_1385 {strides = array<i32>} : memref<256x1152xf32, #tpu.memory_space<vmem>>, vector<8x128xf32>,
    }
    %scan3A_3 = arith.constant 32 : i32
    %get3A = arith.constant 0 : index
    %get3A_4 = arith.constant 0 : index
    %get3A_5 = vector.load %arg6[%get3A, %get3A_4] : memref<256x1152xf32, #tpu.memory_space<vmem>>, vector<256x1152xf32>
    %get3A_6 = arith.constant 0 : index
    %get3A_7 = arith.constant 0 : index
    %get3A_8 = vector.load %arg3[%get3A_6, %get3A_7] : memref<1152x128xf32, #tpu.memory_space<vmem>>, vector<1152x128xf32>
    %dot_general3A = arith.constant dense<0.000000e+00> : vector<256x128xf32>
    %dot_general3A_9 = tpu.matmul %get3A_5, %get3A_8, %dot_general3A {dimension_numbers = #tpu.dot_dimension_numbers<[1], [0], [0], [1], [0, 0, 1, 1], [], []>, transpose_lhs_hint = false} : vector<256x1152xf32>, vector<1152x128xf32>, vector<256x128xf32> -> vector<256x128xf32>
    %get3A_10 = arith.constant 0 : index
    %get3A_11 = arith.constant 0 : index
    %get3A_12 = vector.load %arg4[%get3A_10, %get3A_11] : memref<1x128xf32, #tpu.memory_space<vmem>>, vector<1x128xf32>
    %add3A = vector.broadcast %get3A_12 : vector<1x128xf32> to vector<256x128xf32>
    %add3A_13 = arith.addf %dot_general3A_9, %add3A : vector<256x128xf32>
    %swap3A = arith.constant 0 : index
    %swap3A_14 = arith.constant 0 : index
    %swap3A_15 = vector.load %arg5[%swap3A, %swap3A_14] : memref<256x128xf32, #tpu.memory_space<vmem>>, vector<256x128xf32>
    tpu.vector_store %arg5[%swap3A, %swap3A_14], %add3A_13 {strides = array<i32>} : memref<256x128xf32, #tpu.memory_space<vmem>>, vector<256x128xf32>,
    return
  }
  func.func @transform_0(%arg0: i32) -> (i32, i32, i32) {
    %c0_i32 = arith.constant 0 : i32
    %c0_i32_0 = arith.constant 0 : i32
    %c0_i32_1 = arith.constant 0 : i32
    return %arg0, %c0_i32, %c0_i32_0 : i32, i32, i32
  }
  func.func @transform_1(%arg0: i32) -> (i32, i32) {
    %c0_i32 = arith.constant 0 : i32
    %c0_i32_0 = arith.constant 0 : i32
    %c0_i32_1 = arith.constant 0 : i32
    return %c0_i32, %c0_i32_0 : i32, i32
  }
  func.func @transform_2(%arg0: i32) -> (i32, i32) {
    %c0_i32 = arith.constant 0 : i32
    %c0_i32_0 = arith.constant 0 : i32
    %c0_i32_1 = arith.constant 0 : i32
    return %c0_i32, %c0_i32_0 : i32, i32
  }
  func.func @transform_3(%arg0: i32) -> (i32, i32) {
    %c0_i32 = arith.constant 0 : i32
    %c0_i32_0 = arith.constant 0 : i32
    %c0_i32_1 = arith.constant 0 : i32
    return %c0_i32, %c0_i32_0 : i32, i32
  }
  func.func @transform_4(%arg0: i32) -> (i32, i32) {
    %c0_i32 = arith.constant 0 : i32
    %c0_i32_0 = arith.constant 0 : i32
    return %arg0, %c0_i32 : i32, i32
  }
}

module attributes {stable_mosaic.version = 14 : i64} {
  func.func @_sc_mm_body(%arg0: i32, %arg1: memref<9x256x128xf32, #tpu.memory_space<vmem>>, %arg2: memref<9x128x128xf32, #tpu.memory_space<vmem>>, %arg3: memref<1x128xf32, #tpu.memory_space<vmem>>, %arg4: memref<256x128xf32, #tpu.memory_space<vmem>>) attributes {dimension_semantics = [#tpu.dimension_semantics<arbitrary>], iteration_bounds = array<i64: 120>, scalar_prefetch = 0 : i64, scratch_operands = 0 : i64, tpu.core_type = #tpu.core_type<tc>, window_params = [{transform_indices = @transform_0, window_bounds = array<i64: 9, 256, 128>}, {pipeline_mode = #tpu.pipeline_mode<synchronous>, transform_indices = @transform_1, window_bounds = array<i64: 9, 128, 128>}, {pipeline_mode = #tpu.pipeline_mode<synchronous>, transform_indices = @transform_2, window_bounds = array<i64: 1, 128>}, {transform_indices = @transform_3, window_bounds = array<i64: 256, 128>}]} {
    %get3A = arith.constant 0 : index
    %get3A_0 = arith.constant 0 : index
    %get3A_1 = vector.load %arg3[%get3A, %get3A_0] : memref<1x128xf32, #tpu.memory_space<vmem>>, vector<1x128xf32>
    %get3A_2 = arith.constant 0 : index
    %get3A_3 = arith.constant 0 : index
    %get3A_4 = arith.constant 0 : index
    %get3A_5 = vector.load %arg1[%get3A_2, %get3A_3, %get3A_4] : memref<9x256x128xf32, #tpu.memory_space<vmem>>, vector<1x256x128xf32>
    %get3A_6 = vector.shape_cast %get3A_5 : vector<1x256x128xf32> to vector<256x128xf32>
    %get3A_7 = arith.constant 0 : index
    %get3A_8 = arith.constant 0 : index
    %get3A_9 = arith.constant 0 : index
    %get3A_10 = vector.load %arg2[%get3A_7, %get3A_8, %get3A_9] : memref<9x128x128xf32, #tpu.memory_space<vmem>>, vector<1x128x128xf32>
    %get3A_11 = vector.shape_cast %get3A_10 : vector<1x128x128xf32> to vector<128x128xf32>
    %dot_general3A = arith.constant dense<0.000000e+00> : vector<256x128xf32>
    %dot_general3A_12 = tpu.matmul %get3A_6, %get3A_11, %dot_general3A {dimension_numbers = #tpu.dot_dimension_numbers<[1], [0], [0], [1], [0, 0, 1, 1], [], []>, transpose_lhs_hint = false} : vector<256x128xf32>, vector<128x128xf32>, vector<256x128xf32> -> vector<256x128xf32>
    %add3A = vector.broadcast %get3A_1 : vector<1x128xf32> to vector<256x128xf32>
    %add3A_13 = arith.addf %add3A, %dot_general3A_12 : vector<256x128xf32>
    %get3A_14 = arith.constant 1 : index
    %get3A_15 = arith.constant 0 : index
    %get3A_16 = arith.constant 0 : index
    %get3A_17 = vector.load %arg1[%get3A_14, %get3A_15, %get3A_16] : memref<9x256x128xf32, #tpu.memory_space<vmem>>, vector<1x256x128xf32>
    %get3A_18 = vector.shape_cast %get3A_17 : vector<1x256x128xf32> to vector<256x128xf32>
    %get3A_19 = arith.constant 1 : index
    %get3A_20 = arith.constant 0 : index
    %get3A_21 = arith.constant 0 : index
    %get3A_22 = vector.load %arg2[%get3A_19, %get3A_20, %get3A_21] : memref<9x128x128xf32, #tpu.memory_space<vmem>>, vector<1x128x128xf32>
    %get3A_23 = vector.shape_cast %get3A_22 : vector<1x128x128xf32> to vector<128x128xf32>
    %dot_general3A_24 = arith.constant dense<0.000000e+00> : vector<256x128xf32>
    %dot_general3A_25 = tpu.matmul %get3A_18, %get3A_23, %dot_general3A_24 {dimension_numbers = #tpu.dot_dimension_numbers<[1], [0], [0], [1], [0, 0, 1, 1], [], []>, transpose_lhs_hint = false} : vector<256x128xf32>, vector<128x128xf32>, vector<256x128xf32> -> vector<256x128xf32>
    %add3A_26 = arith.addf %add3A_13, %dot_general3A_25 : vector<256x128xf32>
    %get3A_27 = arith.constant 2 : index
    %get3A_28 = arith.constant 0 : index
    %get3A_29 = arith.constant 0 : index
    %get3A_30 = vector.load %arg1[%get3A_27, %get3A_28, %get3A_29] : memref<9x256x128xf32, #tpu.memory_space<vmem>>, vector<1x256x128xf32>
    %get3A_31 = vector.shape_cast %get3A_30 : vector<1x256x128xf32> to vector<256x128xf32>
    %get3A_32 = arith.constant 2 : index
    %get3A_33 = arith.constant 0 : index
    %get3A_34 = arith.constant 0 : index
    %get3A_35 = vector.load %arg2[%get3A_32, %get3A_33, %get3A_34] : memref<9x128x128xf32, #tpu.memory_space<vmem>>, vector<1x128x128xf32>
    %get3A_36 = vector.shape_cast %get3A_35 : vector<1x128x128xf32> to vector<128x128xf32>
    %dot_general3A_37 = arith.constant dense<0.000000e+00> : vector<256x128xf32>
    %dot_general3A_38 = tpu.matmul %get3A_31, %get3A_36, %dot_general3A_37 {dimension_numbers = #tpu.dot_dimension_numbers<[1], [0], [0], [1], [0, 0, 1, 1], [], []>, transpose_lhs_hint = false} : vector<256x128xf32>, vector<128x128xf32>, vector<256x128xf32> -> vector<256x128xf32>
    %add3A_39 = arith.addf %add3A_26, %dot_general3A_38 : vector<256x128xf32>
    %get3A_40 = arith.constant 3 : index
    %get3A_41 = arith.constant 0 : index
    %get3A_42 = arith.constant 0 : index
    %get3A_43 = vector.load %arg1[%get3A_40, %get3A_41, %get3A_42] : memref<9x256x128xf32, #tpu.memory_space<vmem>>, vector<1x256x128xf32>
    %get3A_44 = vector.shape_cast %get3A_43 : vector<1x256x128xf32> to vector<256x128xf32>
    %get3A_45 = arith.constant 3 : index
    %get3A_46 = arith.constant 0 : index
    %get3A_47 = arith.constant 0 : index
    %get3A_48 = vector.load %arg2[%get3A_45, %get3A_46, %get3A_47] : memref<9x128x128xf32, #tpu.memory_space<vmem>>, vector<1x128x128xf32>
    %get3A_49 = vector.shape_cast %get3A_48 : vector<1x128x128xf32> to vector<128x128xf32>
    %dot_general3A_50 = arith.constant dense<0.000000e+00> : vector<256x128xf32>
    %dot_general3A_51 = tpu.matmul %get3A_44, %get3A_49, %dot_general3A_50 {dimension_numbers = #tpu.dot_dimension_numbers<[1], [0], [0], [1], [0, 0, 1, 1], [], []>, transpose_lhs_hint = false} : vector<256x128xf32>, vector<128x128xf32>, vector<256x128xf32> -> vector<256x128xf32>
    %add3A_52 = arith.addf %add3A_39, %dot_general3A_51 : vector<256x128xf32>
    %get3A_53 = arith.constant 4 : index
    %get3A_54 = arith.constant 0 : index
    %get3A_55 = arith.constant 0 : index
    %get3A_56 = vector.load %arg1[%get3A_53, %get3A_54, %get3A_55] : memref<9x256x128xf32, #tpu.memory_space<vmem>>, vector<1x256x128xf32>
    %get3A_57 = vector.shape_cast %get3A_56 : vector<1x256x128xf32> to vector<256x128xf32>
    %get3A_58 = arith.constant 4 : index
    %get3A_59 = arith.constant 0 : index
    %get3A_60 = arith.constant 0 : index
    %get3A_61 = vector.load %arg2[%get3A_58, %get3A_59, %get3A_60] : memref<9x128x128xf32, #tpu.memory_space<vmem>>, vector<1x128x128xf32>
    %get3A_62 = vector.shape_cast %get3A_61 : vector<1x128x128xf32> to vector<128x128xf32>
    %dot_general3A_63 = arith.constant dense<0.000000e+00> : vector<256x128xf32>
    %dot_general3A_64 = tpu.matmul %get3A_57, %get3A_62, %dot_general3A_63 {dimension_numbers = #tpu.dot_dimension_numbers<[1], [0], [0], [1], [0, 0, 1, 1], [], []>, transpose_lhs_hint = false} : vector<256x128xf32>, vector<128x128xf32>, vector<256x128xf32> -> vector<256x128xf32>
    %add3A_65 = arith.addf %add3A_52, %dot_general3A_64 : vector<256x128xf32>
    %get3A_66 = arith.constant 5 : index
    %get3A_67 = arith.constant 0 : index
    %get3A_68 = arith.constant 0 : index
    %get3A_69 = vector.load %arg1[%get3A_66, %get3A_67, %get3A_68] : memref<9x256x128xf32, #tpu.memory_space<vmem>>, vector<1x256x128xf32>
    %get3A_70 = vector.shape_cast %get3A_69 : vector<1x256x128xf32> to vector<256x128xf32>
    %get3A_71 = arith.constant 5 : index
    %get3A_72 = arith.constant 0 : index
    %get3A_73 = arith.constant 0 : index
    %get3A_74 = vector.load %arg2[%get3A_71, %get3A_72, %get3A_73] : memref<9x128x128xf32, #tpu.memory_space<vmem>>, vector<1x128x128xf32>
    %get3A_75 = vector.shape_cast %get3A_74 : vector<1x128x128xf32> to vector<128x128xf32>
    %dot_general3A_76 = arith.constant dense<0.000000e+00> : vector<256x128xf32>
    %dot_general3A_77 = tpu.matmul %get3A_70, %get3A_75, %dot_general3A_76 {dimension_numbers = #tpu.dot_dimension_numbers<[1], [0], [0], [1], [0, 0, 1, 1], [], []>, transpose_lhs_hint = false} : vector<256x128xf32>, vector<128x128xf32>, vector<256x128xf32> -> vector<256x128xf32>
    %add3A_78 = arith.addf %add3A_65, %dot_general3A_77 : vector<256x128xf32>
    %get3A_79 = arith.constant 6 : index
    %get3A_80 = arith.constant 0 : index
    %get3A_81 = arith.constant 0 : index
    %get3A_82 = vector.load %arg1[%get3A_79, %get3A_80, %get3A_81] : memref<9x256x128xf32, #tpu.memory_space<vmem>>, vector<1x256x128xf32>
    %get3A_83 = vector.shape_cast %get3A_82 : vector<1x256x128xf32> to vector<256x128xf32>
    %get3A_84 = arith.constant 6 : index
    %get3A_85 = arith.constant 0 : index
    %get3A_86 = arith.constant 0 : index
    %get3A_87 = vector.load %arg2[%get3A_84, %get3A_85, %get3A_86] : memref<9x128x128xf32, #tpu.memory_space<vmem>>, vector<1x128x128xf32>
    %get3A_88 = vector.shape_cast %get3A_87 : vector<1x128x128xf32> to vector<128x128xf32>
    %dot_general3A_89 = arith.constant dense<0.000000e+00> : vector<256x128xf32>
    %dot_general3A_90 = tpu.matmul %get3A_83, %get3A_88, %dot_general3A_89 {dimension_numbers = #tpu.dot_dimension_numbers<[1], [0], [0], [1], [0, 0, 1, 1], [], []>, transpose_lhs_hint = false} : vector<256x128xf32>, vector<128x128xf32>, vector<256x128xf32> -> vector<256x128xf32>
    %add3A_91 = arith.addf %add3A_78, %dot_general3A_90 : vector<256x128xf32>
    %get3A_92 = arith.constant 7 : index
    %get3A_93 = arith.constant 0 : index
    %get3A_94 = arith.constant 0 : index
    %get3A_95 = vector.load %arg1[%get3A_92, %get3A_93, %get3A_94] : memref<9x256x128xf32, #tpu.memory_space<vmem>>, vector<1x256x128xf32>
    %get3A_96 = vector.shape_cast %get3A_95 : vector<1x256x128xf32> to vector<256x128xf32>
    %get3A_97 = arith.constant 7 : index
    %get3A_98 = arith.constant 0 : index
    %get3A_99 = arith.constant 0 : index
    %get3A_100 = vector.load %arg2[%get3A_97, %get3A_98, %get3A_99] : memref<9x128x128xf32, #tpu.memory_space<vmem>>, vector<1x128x128xf32>
    %get3A_101 = vector.shape_cast %get3A_100 : vector<1x128x128xf32> to vector<128x128xf32>
    %dot_general3A_102 = arith.constant dense<0.000000e+00> : vector<256x128xf32>
    %dot_general3A_103 = tpu.matmul %get3A_96, %get3A_101, %dot_general3A_102 {dimension_numbers = #tpu.dot_dimension_numbers<[1], [0], [0], [1], [0, 0, 1, 1], [], []>, transpose_lhs_hint = false} : vector<256x128xf32>, vector<128x128xf32>, vector<256x128xf32> -> vector<256x128xf32>
    %add3A_104 = arith.addf %add3A_91, %dot_general3A_103 : vector<256x128xf32>
    %get3A_105 = arith.constant 8 : index
    %get3A_106 = arith.constant 0 : index
    %get3A_107 = arith.constant 0 : index
    %get3A_108 = vector.load %arg1[%get3A_105, %get3A_106, %get3A_107] : memref<9x256x128xf32, #tpu.memory_space<vmem>>, vector<1x256x128xf32>
    %get3A_109 = vector.shape_cast %get3A_108 : vector<1x256x128xf32> to vector<256x128xf32>
    %get3A_110 = arith.constant 8 : index
    %get3A_111 = arith.constant 0 : index
    %get3A_112 = arith.constant 0 : index
    %get3A_113 = vector.load %arg2[%get3A_110, %get3A_111, %get3A_112] : memref<9x128x128xf32, #tpu.memory_space<vmem>>, vector<1x128x128xf32>
    %get3A_114 = vector.shape_cast %get3A_113 : vector<1x128x128xf32> to vector<128x128xf32>
    %dot_general3A_115 = arith.constant dense<0.000000e+00> : vector<256x128xf32>
    %dot_general3A_116 = tpu.matmul %get3A_109, %get3A_114, %dot_general3A_115 {dimension_numbers = #tpu.dot_dimension_numbers<[1], [0], [0], [1], [0, 0, 1, 1], [], []>, transpose_lhs_hint = false} : vector<256x128xf32>, vector<128x128xf32>, vector<256x128xf32> -> vector<256x128xf32>
    %add3A_117 = arith.addf %add3A_104, %dot_general3A_116 : vector<256x128xf32>
    %swap3A = arith.constant 0 : index
    %swap3A_118 = arith.constant 0 : index
    %swap3A_119 = vector.load %arg4[%swap3A, %swap3A_118] : memref<256x128xf32, #tpu.memory_space<vmem>>, vector<256x128xf32>
    tpu.vector_store %arg4[%swap3A, %swap3A_118], %add3A_117 {strides = array<i32>} : memref<256x128xf32, #tpu.memory_space<vmem>>, vector<256x128xf32>,
    return
  }
  func.func @transform_0(%arg0: i32) -> (i32, i32, i32) {
    %c0_i32 = arith.constant 0 : i32
    %c0_i32_0 = arith.constant 0 : i32
    %c0_i32_1 = arith.constant 0 : i32
    return %c0_i32, %arg0, %c0_i32_0 : i32, i32, i32
  }
  func.func @transform_1(%arg0: i32) -> (i32, i32, i32) {
    %c0_i32 = arith.constant 0 : i32
    %c0_i32_0 = arith.constant 0 : i32
    %c0_i32_1 = arith.constant 0 : i32
    %c0_i32_2 = arith.constant 0 : i32
    return %c0_i32, %c0_i32_0, %c0_i32_1 : i32, i32, i32
  }
  func.func @transform_2(%arg0: i32) -> (i32, i32) {
    %c0_i32 = arith.constant 0 : i32
    %c0_i32_0 = arith.constant 0 : i32
    %c0_i32_1 = arith.constant 0 : i32
    return %c0_i32, %c0_i32_0 : i32, i32
  }
  func.func @transform_3(%arg0: i32) -> (i32, i32) {
    %c0_i32 = arith.constant 0 : i32
    %c0_i32_0 = arith.constant 0 : i32
    return %arg0, %c0_i32 : i32, i32
  }
}

</mosaic_0001>

<sc_bundles>
// kernel: kernel.5.cloned.1.call-start
scs
__scs_entry_jumppad:
0x0: {  	(pc) =	sbr.rel $0x88, $3  }
0x1: {  	(tag) =	ssettag $0x0;
	lr =	simm.s32 $0x1  }
0x2: {  	[smem:$0x3F9D] =	sst lr;
	_ =	strace $0xD0000000  }
0x3: {  	_ = 	snop  }
0x4: {  	_ = 	snop  }
0x5: {  	_ = 	snop  }
0x6: {  	_ = 	snop  }
0x7: {  	_ = 	snop  }
__scs_overlays_trampoline_lowered:
0x8: {  	[smem:$0x3FAC] =	sst s0  }
0x9: {  	[smem:$0x3FAD] =	sst s1  }
0xa: {  	[smem:$0x3FAE] =	sst s2  }
0xb: {  	[smem:$0x3FAF] =	sst s3  }
0xc: {  	[smem:$0x3FB0] =	sst s4  }
0xd: {  	[smem:$0x3FB1] =	sst s5  }
0xe: {  	[smem:$0x3FB2] =	sst s6  }
0xf: {  	[smem:$0x3FB3] =	sst s7  }
0x10: {  	[smem:$0x3FB4] =	sst s8  }
0x11: {  	[smem:$0x3FB5] =	sst s9;
	s0 =	simm.s32 @!p0 $0x0  }
0x12: {  	s1 =	sld [smem:$0x3F9B];
	s0 =	simm.s32 @p0 $0x1  }
0x13: {  	[smem:$0x3FB6] =	sst s0;
	s0 =	simm.s32 @!p1 $0x0  }
0x14: {  	s2 =	sld [smem:$0x3F9A];
	s0 =	simm.s32 @p1 $0x1  }
0x15: {  	[smem:$0x3FB7] =	sst s0;
	s0 =	simm.s32 @!p2 $0x0  }
0x16: {  	s3 =	sld [smem:$0x3FDB];
	s0 =	simm.s32 @p2 $0x1  }
0x17: {  	s4 =	simm.s32 $0x1BF5;
	[smem:$0x3FB9] =	sst s0  }
0x18: {  	s0 =	sld [smem:$0x3F9C];
	_ =	swait.ge [sflag:s4], $0x0  }
0x19: {  	s7 =	sld [smem:$0x3F9D]  }
0x1a: {  	s8 =	sadd.s32 $0xFFFFE003, lr  }
0x1b: {  	s9 =	sadd.s32 $0xFFFFFEF7, lr;
	s5 =	simm.s32 $0xFFFFFFFF;
	p2 =	slt.u32 s8, $0xFFFFF086  }
0x1c: {  	p1 =	slt.u32 s9, $0xF7A;
	s5 =	simm.s32 @!p2 $0x0  }
0x1d: {  	s5 =	simm.s32 @p1 $0x1;
	p0 =	seq.s32 s7, s2  }
0x1e: {  	s7 =	smul.u32 @!p0 $0xF7A, s2;
	p2 =	seq.s32 @!p0 s5, $0x0  }
0x1f: {  	s9 =	smul.u32 $0xF7A, s1;
	s8 =	simm.s32 @!p0 $0x1BF5;
	p2 =	por !p2, p0  }
0x20: {  	[sflag:s8] =	ssyncset.s32 @!p0 $0xFFFFF086;
	s6 =	sadd.s32 @!p0 s3, s7;
	s7 =	simm.s32 @!p0 $0x108  }
0x21: {  	s3 =	sadd.s32 s3, s9;
	s6 =	sadd.s32 @!p0 $0x88, s6;
	s7 =	simm.s32 @p2 $0x1082  }
0x22: {  	[simem:s7], [sflag:s8] =	dma.local @!p0 [hbm:s6], $0xF7A  }
0x23: {  	s9 =	sor.u32 $0xD0000000, s2;
	s6 =	simm.s32 $0x108;
	_ =	swait.ge @!p0 [sflag:s8], $0x0  }
0x24: {  	s3 =	sadd.s32 $0x88, s3;
	s6 =	simm.s32 @!p1 $0x1082;
	[sflag:s4] =	ssyncset.s32 $0xFFFFF086  }
0x25: {  	[simem:s6], [sflag:s4] =	dma.local [hbm:s3], $0xF7A  }
0x26: {  	[smem:$0x3F9D] =	sst s1;
	(tag) =	ssettag s2;
	_ =	strace s9  }
0x27: {  	s1 =	sld [smem:$0x3FAD]  }
0x28: {  	s2 =	sld [smem:$0x3FAE]  }
0x29: {  	s4 =	sld [smem:$0x3FB0]  }
0x2a: {  	p0 =	seq.s32 s5, $0x0;
	s5 =	sld [smem:$0x3FB1]  }
0x2b: {  	s6 =	sld [smem:$0x3FB2]  }
0x2c: {  	s7 =	sld [smem:$0x3FB3]  }
0x2d: {  	s3 =	simm.s32 $0x108;
	s8 =	sld [smem:$0x3FB4]  }
0x2e: {  	s3 =	simm.s32 @!p0 $0x1082;
	s9 =	sld [smem:$0x3FB5]  }
0x2f: {  	lr =	sadd.s32 s0, s3;
	s0 =	sld [smem:$0x3FAC]  }
0x30: {  	s3 =	sld [smem:$0x3FAF]  }
0x31: {  	[smem:$0x3FB8] =	sst s10  }
0x32: {  	s10 =	sld [smem:$0x3FB6];
	_ =	sdelay $0x3  }
0x33: {  	p0 =	seq.s32 s10, $0x1;
	s10 =	sld [smem:$0x3FB8];
	_ =	sdelay $0x3  }
0x34: {  	[smem:$0x3FB8] =	sst s10  }
0x35: {  	s10 =	sld [smem:$0x3FB7];
	_ =	sdelay $0x3  }
0x36: {  	p1 =	seq.s32 s10, $0x1;
	s10 =	sld [smem:$0x3FB8];
	_ =	sdelay $0x3  }
0x37: {  	[smem:$0x3FB8] =	sst s10  }
0x38: {  	s10 =	sld [smem:$0x3FB9]  }
0x39: {  	_ = 	snop;
	(pc) =	sbr.ind lr, $3  }
0x3a: {  	_ = 	snop  }
0x3b: {  	_ = 	snop  }
0x3c: {  	p2 =	seq.s32 s10, $0x1;
	s10 =	sld [smem:$0x3FB8]  }
0x3d: {  	_ =	shalt  }
0x3e: {  	_ =	shalt  }
0x3f: {  	_ =	shalt  }
0x40: {  	_ =	shalt  }
0x41: {  	_ =	shalt  }
0x42: {  	_ =	shalt  }
0x43: {  	_ =	shalt  }
0x44: {  	_ =	shalt  }
0x45: {  	_ =	shalt  }
0x46: {  	_ =	shalt  }
0x47: {  	_ =	shalt  }
0x48: {  	_ =	shalt  }
0x49: {  	_ =	shalt  }
0x4a: {  	_ =	shalt  }
0x4b: {  	_ =	shalt  }
0x4c: {  	_ =	shalt  }
0x4d: {  	_ =	shalt  }
0x4e: {  	_ =	shalt  }
0x4f: {  	_ =	shalt  }
0x50: {  	_ =	shalt  }
0x51: {  	_ =	shalt  }
0x52: {  	_ =	shalt  }
0x53: {  	_ =	shalt  }
0x54: {  	_ =	shalt  }
0x55: {  	_ =	shalt  }
0x56: {  	_ =	shalt  }
0x57: {  	_ =	shalt  }
0x58: {  	_ =	shalt  }
0x59: {  	_ =	shalt  }
0x5a: {  	_ =	shalt  }
0x5b: {  	_ =	shalt  }
0x5c: {  	_ =	shalt  }
0x5d: {  	_ =	shalt  }
0x5e: {  	_ =	shalt  }
0x5f: {  	_ =	shalt  }
0x60: {  	_ =	shalt  }
0x61: {  	_ =	shalt  }
0x62: {  	_ =	shalt  }
0x63: {  	_ =	shalt  }
0x64: {  	_ =	shalt  }
0x65: {  	_ =	shalt  }
0x66: {  	_ =	shalt  }
0x67: {  	_ =	shalt  }
0x68: {  	_ =	shalt  }
0x69: {  	_ =	shalt  }
0x6a: {  	_ =	shalt  }
0x6b: {  	_ =	shalt  }
0x6c: {  	_ =	shalt  }
0x6d: {  	_ =	shalt  }
0x6e: {  	_ =	shalt  }
0x6f: {  	_ =	shalt  }
0x70: {  	_ =	shalt  }
0x71: {  	_ =	shalt  }
0x72: {  	_ =	shalt  }
0x73: {  	_ =	shalt  }
0x74: {  	_ =	shalt  }
0x75: {  	_ =	shalt  }
0x76: {  	_ =	shalt  }
0x77: {  	_ =	shalt  }
0x78: {  	_ =	shalt  }
0x79: {  	_ =	shalt  }
0x7a: {  	_ =	shalt  }
0x7b: {  	_ =	shalt  }
0x7c: {  	_ =	shalt  }
0x7d: {  	_ =	shalt  }
0x7e: {  	_ =	shalt  }
0x7f: {  	_ =	shalt  }
0x80: {  	_ =	shalt  }
0x81: {  	_ =	shalt  }
0x82: {  	_ =	shalt  }
0x83: {  	_ =	shalt  }
0x84: {  	_ =	shalt  }
0x85: {  	_ =	shalt  }
0x86: {  	_ =	shalt  }
0x87: {  	_ =	shalt  }
.Lfunc_end0:
.L_simem_size_0:
called_computation_lowered:
.L_overlay_start_0:
0x88: {  	s2 =	sld [smem:$0x3FD9]  }
0x89: {  	s3 =	sld [smem:$0x3FFE];
	_ =	sdelay $0x1  }
0x8a: {  	s1 =	srdreg.scid  }
0x8b: {  	s0 =	sand.u32 $0x1, s1  }
0x8c: {  	s17 =	sshll.u32 s0, $0xA;
	s2 =	sadd.s32 s3, s2  }
0x8d: {  	s2 =	sadd.s32 s2, s17  }
0x8e: {  	[smem:$0x3FC4] =	sst s2  }
0x8f: {  	_ = 	snop  }
0x90: {  	s2 =	sld [smem:$0x3FC9];
	(tm) =	ssettm $0x1  }
0x91: {  	s18 =	sld [smem:$0x3FFB];
	_ =	sdelay $0x3  }
0x92: {  	_ =	strace s18  }
0x93: {  	s3 =	sld [smem:$0x3FFC];
	_ =	sdelay $0x3  }
0x94: {  	_ =	strace s3  }
0x95: {  	s3 =	sld [smem:$0x3FFD];
	_ =	sdelay $0x3  }
0x96: {  	_ =	strace s3  }
0x97: {  	_ =	strace $0x8FFFFFFF  }
0x98: {  	s19 =	sld [smem:$0x3FDB];
	_ =	sdelay $0x1  }
0x99: {  	s4 =	simm.s32 $_scs_section_size  }
0x9a: {  	s5 =	simm.s32 $_size__tile_overlayer_lowered;
	s6 =	simm.s32 $_tile_overlayer_lowered  }
0x9b: {  	s22 =	simm.s32 $0x1BFF;
	s21 =	sshll.u32 s6, $0x1;
	s3 =	sadd.s32 s4, s19  }
0x9c: {  	s7 =	simm.s32 $0x0;
	s20 =	sshll.u32 s5, $0x1;
	s5 =	sadd.s32 s21, s3  }
0x9d: {  	[timem:s7], [sflag:s22] =	dma.local [hbm:s5], s20  }
0x9e: {  	_ =	swait.ge [sflag:s22], s20  }
0x9f: {  	s4 =	ssub.s32 $0x0, s20;
	[sflag:s22] =	ssyncset.done $0x0  }
0xa0: {  	[sflag:s22] =	ssyncadd.s32 s4;
	_ =	sdelay $0x1  }
0xa1: {  	s23 =	simm.s32 $0x1B8B  }
0xa2: {  	_ =	swait.ge [sflag:s23], $0x1  }
0xa3: {  	[sflag:s23] =	ssyncset.done $0x0  }
0xa4: {  	s25 =	simm.s32 $0x1B8E;
	s24 =	sld [smem:$0x3FFE];
	[sflag:s23] =	ssyncadd.s32 $0xFFFFFFFF  }
0xa5: {  	s26 =	simm.s32 $execute0_lowered;
	[smem:$0x3FD2] =	sst s25  }
0xa6: {  	s5 =	sshll.u32 s26, $0x1;
	_ =	strace $0x80000046;
	[dreg:$0x1] =	wrdreg $0xFFFFFFFF  }
0xa7: {  	s28 =	simm.s32 $_size_execute0_lowered;
	s3 =	sadd.s32 s3, s5;
	[dreg:$0x0] =	wrdreg $0x0  }
0xa8: {  	s5 =	sshll.u32 s28, $0x1;
	[dreg:$0x2] =	wrdreg s3  }
0xa9: {  	[dreg:$0x3] =	wrdreg s5  }
0xaa: {  	[dreg:$0x4] =	wrdreg $0xC0  }
0xab: {  	_ =	task [dreg:s7], $0x5FFFF  }
0xac: {  	[dreg:$0x1] =	wrdreg $0xFFFFFFFF  }
0xad: {  	[dreg:$0x0] =	wrdreg $0x60  }
0xae: {  	[dreg:$0x2] =	wrdreg s2  }
0xaf: {  	[dreg:$0x3] =	wrdreg s24  }
0xb0: {  	[dreg:$0x4] =	wrdreg $0x9  }
0xb1: {  	_ =	task.clear_ibuf [dreg:s7], $0x5FFFF;
	_ =	strace $0x90000046  }
0xb2: {  	s29 =	simm.s32 $0x9;
	_ =	strace $0x80000048  }
0xb3: {  	_ =	swait.ge [sflag:s29], $0x1  }
0xb4: {  	[sflag:s29] =	ssyncadd.s32 $0xFFFFFFFF  }
0xb5: {  	_ =	strace $0x90000048  }
0xb6: {  	_ =	sfence  }
0xb7: {  	s30 =	sld [smem:$0x0];
	_ =	sdelay $0x2  }
0xb8: {  	s31 =	sshll.u32 s1, $0xD;
	s1 =	sshrl.u32 s1, $0x2  }
0xb9: {  	s3 =	sand.u32 $0x4000, s31;
	s1 =	sadd.s32 s1, s30  }
0xba: {  	s0 =	sor.u32 s3, s0;
	s1 =	sshll.u32 s1, $0x11  }
0xbb: {  	s0 =	sor.u32 s1, s0  }
0xbc: {  	s0 =	sadd.s32 $0x8F2B, s0  }
0xbd: {  	[sflag:s0] =	ssyncadd.remote.s32 $0x1  }
0xbe: {  	_ =	sfence.sel $0xFFFF  }
0xbf: {  	[dreg:$0x0] =	wrdreg $0xFFFFFFFF;
	(pc) =	sbr.abs _section_cstart, $3  }
0xc0: {  	[dreg:$0x1] =	wrdreg $0xFFFFFFFF  }
0xc1: {  	_ =	task.clear_ibuf [dreg:s7], $0x2FFFF;
	_ =	strace $0x9FFFFFFF  }
0xc2: {  	(tm) =	ssettm $0x7FFFFFFF  }
0xc3: {  	_ =	shalt  }
tec
execute0_lowered:
.L_overlay_start_1:
0x0: {  	(tag) =	ssettag $0x1  }
0x1: {  	s0 =	srdreg.scid;
	s5 =	stileid.u32  }
0x2: {  	s2 =	rddreg [dreg:$0x0];
	s0 =	sand.u32 $0x1, s0;
	s1 =	sshll.u32 s5, $0x1  }
0x3: {  	s4 =	rddreg [dreg:$0x1];
	s3 =	simm.s32 $0x0;
	s1 =	sor.u32 s0, s1  }
0x4: {  	s14 =	simm.s32 $0xA;
	s6 =	ssub.s32 $0x2, s0;
	s1 =	smul.u32 $0x3C0, s1  }
0x5: {  	s15 =	simm.s32 $0x40;
	s16 =	simm.s32 $0x2000;
	s7 =	sshrl.u32 s6, $0x1  }
0x6: {  	s28 =	simm.s32 $0x4;
	s17 =	ssub.s32 s6, s7;
	s1 =	sshrl.u32 s1, $0x3  }
0x7: {  	[smem:$0x7FF] =	sst s3;
	s26 =	smax.u32 s17, $0x1;
	s1 =	sadd.s32 s1, s4  }
0x8: {  	_ =	strace $0x80000047;
	[dreg:$0xd] =	wrdreg s26;
	s18 =	sadd.s32 $0xE00, s1  }
0x9: {  	s29 =	simm.s32 $0x5;
	s19 =	sadd.s32 $0x1D00, s1;
	[dreg:$0x4] =	wrdreg s18  }
0xa: {  	s30 =	simm.s32 $0x8;
	s20 =	sadd.s32 $0x2C00, s1;
	[dreg:$0x5] =	wrdreg s19  }
0xb: {  	s31 =	simm.s32 $0x9;
	s21 =	sadd.s32 $0x3B00, s1;
	[dreg:$0x6] =	wrdreg s20  }
0xc: {  	s5 =	smul.u32 $0x7800, s5;
	s22 =	sadd.s32 $0x4A00, s1;
	[dreg:$0x7] =	wrdreg s21  }
0xd: {  	s0 =	smul.u32 $0x3C00, s0;
	s23 =	sadd.s32 $0x5900, s1;
	[dreg:$0x8] =	wrdreg s22  }
0xe: {  	s17 =	simm.s32 $0x4000;
	s24 =	sadd.s32 $0x6800, s1;
	[dreg:$0x9] =	wrdreg s23  }
0xf: {  	s4 =	sadd.s32 s5, s4;
	s25 =	sadd.s32 $0x7700, s1;
	[dreg:$0xa] =	wrdreg s24  }
0x10: {  	s26 =	simm.s32 $0x3;
	s1 =	sadd.s32 $0x8600, s1;
	[dreg:$0xb] =	wrdreg s25  }
0x11: {  	s5 =	simm.s32 $0x0;
	s0 =	sadd.s32 s0, s4;
	[dreg:$0xc] =	wrdreg s1  }
0x12: {  	s0 =	sadd.s32 $0x9600, s0;
	s18 =	simm.s32 $0x6000;
	s19 =	simm.s32 $0x8000  }
0x13: {  	s20 =	simm.s32 $0xA000;
	s21 =	simm.s32 $0xC000;
	s22 =	simm.s32 $0xE000  }
0x14: {  	s23 =	simm.s32 $0x10000;
	s24 =	simm.s32 $0x1;
	s25 =	simm.s32 $0x2  }
0x15: {  	s1 =	simm.s32 $0x6;
	[dreg:$0x3] =	wrdreg s0;
	s0 =	simm.s32 $0x7  }
.LBB2_1:
0x16: {  	[dreg:$0xe] =	wrdreg s5  }
0x17: {  	s5 =	simm.s32 $0x12000;
	s4 =	rddreg [dreg:$0x4]  }
0x18: {  	[tilespmem:s5], [sflag:$0xA] =	stream.linear.gather [hbm4b:s4+s3], $0x3C0, $0x38;
	[tilespmem:$0x14400] =	vst v63  }
0x19: {  	_ =	swait.ge [sflag:s14], $0x3C0  }
0x1a: {  	[sflag:s14] =	ssyncset.done $0x0  }
0x1b: {  	s6 =	simm.s32 $0x12400;
	s11 =	rddreg [dreg:$0x5];
	[sflag:s14] =	ssyncadd.s32 $0xFFFFFC40  }
0x1c: {  	[tilespmem:s6], [sflag:$0xA] =	stream.linear.gather [hbm4b:s11+s3], $0x3C0, $0x38;
	[tilespmem:$0x14400] =	vst v63  }
0x1d: {  	_ =	swait.ge [sflag:s14], $0x3C0  }
0x1e: {  	[sflag:s14] =	ssyncset.done $0x0  }
0x1f: {  	s4 =	simm.s32 $0x12800;
	s7 =	rddreg [dreg:$0x6];
	[sflag:s14] =	ssyncadd.s32 $0xFFFFFC40  }
0x20: {  	[tilespmem:s4], [sflag:$0xA] =	stream.linear.gather [hbm4b:s7+s3], $0x3C0, $0x38;
	[tilespmem:$0x14400] =	vst v63  }
0x21: {  	_ =	swait.ge [sflag:s14], $0x3C0  }
0x22: {  	[sflag:s14] =	ssyncset.done $0x0  }
0x23: {  	s7 =	simm.s32 $0x12C00;
	s8 =	rddreg [dreg:$0x7];
	[sflag:s14] =	ssyncadd.s32 $0xFFFFFC40  }
0x24: {  	[tilespmem:s7], [sflag:$0xA] =	stream.linear.gather [hbm4b:s8+s3], $0x3C0, $0x38;
	[tilespmem:$0x14400] =	vst v63  }
0x25: {  	_ =	swait.ge [sflag:s14], $0x3C0  }
0x26: {  	[sflag:s14] =	ssyncset.done $0x0  }
0x27: {  	s8 =	simm.s32 $0x13000;
	s9 =	rddreg [dreg:$0x8];
	[sflag:s14] =	ssyncadd.s32 $0xFFFFFC40  }
0x28: {  	[tilespmem:s8], [sflag:$0xA] =	stream.linear.gather [hbm4b:s9+s3], $0x3C0, $0x38;
	[tilespmem:$0x14400] =	vst v63  }
0x29: {  	_ =	swait.ge [sflag:s14], $0x3C0  }
0x2a: {  	[sflag:s14] =	ssyncset.done $0x0  }
0x2b: {  	s9 =	simm.s32 $0x13400;
	s10 =	rddreg [dreg:$0x9];
	[sflag:s14] =	ssyncadd.s32 $0xFFFFFC40  }
0x2c: {  	[tilespmem:s9], [sflag:$0xA] =	stream.linear.gather [hbm4b:s10+s3], $0x3C0, $0x38;
	[tilespmem:$0x14400] =	vst v63  }
0x2d: {  	_ =	swait.ge [sflag:s14], $0x3C0  }
0x2e: {  	[sflag:s14] =	ssyncset.done $0x0  }
0x2f: {  	s10 =	simm.s32 $0x13800;
	s11 =	rddreg [dreg:$0xa];
	[sflag:s14] =	ssyncadd.s32 $0xFFFFFC40  }
0x30: {  	[tilespmem:s10], [sflag:$0xA] =	stream.linear.gather [hbm4b:s11+s3], $0x3C0, $0x38;
	[tilespmem:$0x14400] =	vst v63  }
0x31: {  	_ =	swait.ge [sflag:s14], $0x3C0  }
0x32: {  	[sflag:s14] =	ssyncset.done $0x0  }
0x33: {  	s11 =	simm.s32 $0x13C00;
	s12 =	rddreg [dreg:$0xb];
	[sflag:s14] =	ssyncadd.s32 $0xFFFFFC40  }
0x34: {  	[tilespmem:s11], [sflag:$0xA] =	stream.linear.gather [hbm4b:s12+s3], $0x3C0, $0x38;
	[tilespmem:$0x14400] =	vst v63  }
0x35: {  	_ =	swait.ge [sflag:s14], $0x3C0  }
0x36: {  	[sflag:s14] =	ssyncset.done $0x0  }
0x37: {  	s12 =	simm.s32 $0x14000;
	s13 =	rddreg [dreg:$0xc];
	[sflag:s14] =	ssyncadd.s32 $0xFFFFFC40  }
0x38: {  	[tilespmem:s12], [sflag:$0xA] =	stream.linear.gather [hbm4b:s13+s3], $0x3C0, $0x38;
	[tilespmem:$0x14400] =	vst v63  }
0x39: {  	_ =	swait.ge [sflag:s14], $0x3C0  }
0x3a: {  	[sflag:s14] =	ssyncset.done $0x0  }
0x3b: {  	[sflag:s14] =	ssyncadd.s32 $0xFFFFFC40  }
0x3c: {  	[tilespmem:s3], [sflag:$0x1] =	stream.indirect.gather [hbm4b:s2+s15], $0x80, s5, s15, $0xb8;
	[tilespmem:$0x14400] =	vst v63  }
0x3d: {  	_ = 	snop  }
0x3e: {  	[tilespmem:s16], [sflag:$0x2] =	stream.indirect.gather [hbm4b:s2+s15], $0x80, s6, s15, $0xb8;
	[tilespmem:$0x14400] =	vst v63  }
0x3f: {  	_ = 	snop  }
0x40: {  	[tilespmem:s17], [sflag:$0x3] =	stream.indirect.gather [hbm4b:s2+s15], $0x80, s4, s15, $0xb8;
	[tilespmem:$0x14400] =	vst v63  }
0x41: {  	_ = 	snop  }
0x42: {  	[tilespmem:s18], [sflag:$0x4] =	stream.indirect.gather [hbm4b:s2+s15], $0x80, s7, s15, $0xb8;
	[tilespmem:$0x14400] =	vst v63  }
0x43: {  	_ = 	snop  }
0x44: {  	[tilespmem:s19], [sflag:$0x5] =	stream.indirect.gather [hbm4b:s2+s15], $0x80, s8, s15, $0xb8;
	[tilespmem:$0x14400] =	vst v63  }
0x45: {  	_ = 	snop  }
0x46: {  	[tilespmem:s20], [sflag:$0x6] =	stream.indirect.gather [hbm4b:s2+s15], $0x80, s9, s15, $0xb8;
	[tilespmem:$0x14400] =	vst v63  }
0x47: {  	_ = 	snop  }
0x48: {  	[tilespmem:s21], [sflag:$0x7] =	stream.indirect.gather [hbm4b:s2+s15], $0x80, s10, s15, $0xb8;
	[tilespmem:$0x14400] =	vst v63  }
0x49: {  	_ = 	snop  }
0x4a: {  	[tilespmem:s22], [sflag:$0x8] =	stream.indirect.gather [hbm4b:s2+s15], $0x80, s11, s15, $0xb8;
	[tilespmem:$0x14400] =	vst v63  }
0x4b: {  	_ = 	snop  }
0x4c: {  	[tilespmem:s23], [sflag:$0x9] =	stream.indirect.gather [hbm4b:s2+s15], $0x80, s12, s15, $0xb8;
	[tilespmem:$0x14400] =	vst v63  }
0x4d: {  	_ =	swait.ge [sflag:s24], $0x2000  }
0x4e: {  	[sflag:s24] =	ssyncset.done $0x0  }
0x4f: {  	[sflag:s24] =	ssyncadd.s32 $0xFFFFE000  }
0x50: {  	_ =	swait.ge [sflag:s25], $0x2000  }
0x51: {  	[sflag:s25] =	ssyncset.done $0x0  }
0x52: {  	[sflag:s25] =	ssyncadd.s32 $0xFFFFE000  }
0x53: {  	_ =	swait.ge [sflag:s26], $0x2000  }
0x54: {  	[sflag:s26] =	ssyncset.done $0x0  }
0x55: {  	[sflag:s26] =	ssyncadd.s32 $0xFFFFE000  }
0x56: {  	_ =	swait.ge [sflag:s28], $0x2000  }
0x57: {  	[sflag:s28] =	ssyncset.done $0x0  }
0x58: {  	[sflag:s28] =	ssyncadd.s32 $0xFFFFE000  }
0x59: {  	_ =	swait.ge [sflag:s29], $0x2000  }
0x5a: {  	[sflag:s29] =	ssyncset.done $0x0  }
0x5b: {  	[sflag:s29] =	ssyncadd.s32 $0xFFFFE000  }
0x5c: {  	_ =	swait.ge [sflag:s1], $0x2000  }
0x5d: {  	[sflag:s1] =	ssyncset.done $0x0  }
0x5e: {  	[sflag:s1] =	ssyncadd.s32 $0xFFFFE000  }
0x5f: {  	_ =	swait.ge [sflag:s0], $0x2000  }
0x60: {  	[sflag:s0] =	ssyncset.done $0x0  }
0x61: {  	[sflag:s0] =	ssyncadd.s32 $0xFFFFE000  }
0x62: {  	_ =	swait.ge [sflag:s30], $0x2000  }
0x63: {  	[sflag:s30] =	ssyncset.done $0x0  }
0x64: {  	[sflag:s30] =	ssyncadd.s32 $0xFFFFE000  }
0x65: {  	_ =	swait.ge [sflag:s31], $0x2000  }
0x66: {  	s12 =	rddreg [dreg:$0x3];
	[sflag:s31] =	ssyncset.done $0x0  }
0x67: {  	[sflag:s31] =	ssyncadd.s32 $0xFFFFE000;
	s4 =	sadd.s32 $0x0, s12  }
0x68: {  	[hbm4b:s4+s3] =	stream.linear.scatter [tilespmem:s3], [sflag:$0xA], $0x2000, $0x38;
	[tilespmem:$0x14400] =	vst v63  }
0x69: {  	_ =	swait.ge [sflag:s14], $0x2000  }
0x6a: {  	[sflag:s14] =	ssyncset.done $0x0  }
0x6b: {  	s13 =	sadd.s32 $0x78000, s4;
	[sflag:s14] =	ssyncadd.s32 $0xFFFFE000  }
0x6c: {  	[hbm4b:s13+s3] =	stream.linear.scatter [tilespmem:s16], [sflag:$0xA], $0x2000, $0x38;
	[tilespmem:$0x14400] =	vst v63  }
0x6d: {  	_ =	swait.ge [sflag:s14], $0x2000  }
0x6e: {  	[sflag:s14] =	ssyncset.done $0x0  }
0x6f: {  	s16 =	sadd.s32 $0xF0000, s4;
	[sflag:s14] =	ssyncadd.s32 $0xFFFFE000  }
0x70: {  	[hbm4b:s16+s3] =	stream.linear.scatter [tilespmem:s17], [sflag:$0xA], $0x2000, $0x38;
	[tilespmem:$0x14400] =	vst v63  }
0x71: {  	_ =	swait.ge [sflag:s14], $0x2000  }
0x72: {  	[sflag:s14] =	ssyncset.done $0x0  }
0x73: {  	s17 =	sadd.s32 $0x168000, s4;
	[sflag:s14] =	ssyncadd.s32 $0xFFFFE000  }
0x74: {  	[hbm4b:s17+s3] =	stream.linear.scatter [tilespmem:s18], [sflag:$0xA], $0x2000, $0x38;
	[tilespmem:$0x14400] =	vst v63  }
0x75: {  	_ =	swait.ge [sflag:s14], $0x2000  }
0x76: {  	[sflag:s14] =	ssyncset.done $0x0  }
0x77: {  	s24 =	sadd.s32 $0x1E0000, s4;
	[sflag:s14] =	ssyncadd.s32 $0xFFFFE000  }
0x78: {  	[hbm4b:s24+s3] =	stream.linear.scatter [tilespmem:s19], [sflag:$0xA], $0x2000, $0x38;
	[tilespmem:$0x14400] =	vst v63  }
0x79: {  	_ =	swait.ge [sflag:s14], $0x2000  }
0x7a: {  	[sflag:s14] =	ssyncset.done $0x0  }
0x7b: {  	s25 =	sadd.s32 $0x258000, s4;
	[sflag:s14] =	ssyncadd.s32 $0xFFFFE000  }
0x7c: {  	[hbm4b:s25+s3] =	stream.linear.scatter [tilespmem:s20], [sflag:$0xA], $0x2000, $0x38;
	[tilespmem:$0x14400] =	vst v63  }
0x7d: {  	_ =	swait.ge [sflag:s14], $0x2000  }
0x7e: {  	[sflag:s14] =	ssyncset.done $0x0  }
0x7f: {  	s7 =	simm.s32 $0x400;
	s26 =	sadd.s32 $0x2D0000, s4;
	[sflag:s14] =	ssyncadd.s32 $0xFFFFE000  }
0x80: {  	[hbm4b:s26+s3] =	stream.linear.scatter [tilespmem:s21], [sflag:$0xA], $0x2000, $0x38;
	[tilespmem:$0x14400] =	vst v63  }
0x81: {  	s8 =	simm.s32 $0x14040;
	s9 =	simm.s32 $0x13C40;
	_ =	swait.ge [sflag:s14], $0x2000  }
0x82: {  	s10 =	simm.s32 $0x13840;
	s11 =	simm.s32 $0x13040;
	[sflag:s14] =	ssyncset.done $0x0  }
0x83: {  	s29 =	simm.s32 $0x3;
	s28 =	sadd.s32 $0x348000, s4;
	[sflag:s14] =	ssyncadd.s32 $0xFFFFE000  }
0x84: {  	[hbm4b:s28+s3] =	stream.linear.scatter [tilespmem:s22], [sflag:$0xA], $0x2000, $0x38;
	[tilespmem:$0x14400] =	vst v63  }
0x85: {  	s0 =	simm.s32 $0x7;
	s30 =	simm.s32 $0x4;
	_ =	swait.ge [sflag:s14], $0x2000  }
0x86: {  	s12 =	simm.s32 $0x13440;
	s31 =	simm.s32 $0x5;
	[sflag:s14] =	ssyncset.done $0x0  }
0x87: {  	s13 =	simm.s32 $0x12840;
	s4 =	sadd.s32 $0x3C0000, s4;
	[sflag:s14] =	ssyncadd.s32 $0xFFFFE000  }
0x88: {  	[hbm4b:s4+s3] =	stream.linear.scatter [tilespmem:s23], [sflag:$0xA], $0x2000, $0x38;
	[tilespmem:$0x14400] =	vst v63  }
0x89: {  	s19 =	simm.s32 $0x8;
	s26 =	simm.s32 $0x1;
	_ =	swait.ge [sflag:s14], $0x2000  }
0x8a: {  	s4 =	simm.s32 $0x12C40;
	s23 =	simm.s32 $0x9;
	[sflag:s14] =	ssyncset.done $0x0  }
.LBB2_2:
0x8b: {  	[sflag:s14] =	ssyncadd.s32 $0xFFFFE000;
	s5 =	sadd.s32 $0x40, s5  }
0x8c: {  	[tilespmem:s3], [sflag:$0x1] =	stream.indirect.gather [hbm4b:s2+s15], $0x80, s5, s15, $0xb8;
	[tilespmem:$0x14400] =	vst v63  }
0x8d: {  	s6 =	sadd.s32 $0x40, s6;
	s28 =	simm.s32 $0x2000  }
0x8e: {  	[tilespmem:s28], [sflag:$0x2] =	stream.indirect.gather [hbm4b:s2+s15], $0x80, s6, s15, $0xb8;
	[tilespmem:$0x14400] =	vst v63  }
0x8f: {  	s21 =	simm.s32 $0x4000  }
0x90: {  	[tilespmem:s21], [sflag:$0x3] =	stream.indirect.gather [hbm4b:s2+s15], $0x80, s13, s15, $0xb8;
	[tilespmem:$0x14400] =	vst v63  }
0x91: {  	s22 =	simm.s32 $0x6000  }
0x92: {  	[tilespmem:s22], [sflag:$0x4] =	stream.indirect.gather [hbm4b:s2+s15], $0x80, s4, s15, $0xb8;
	[tilespmem:$0x14400] =	vst v63  }
0x93: {  	s25 =	simm.s32 $0x8000  }
0x94: {  	[tilespmem:s25], [sflag:$0x5] =	stream.indirect.gather [hbm4b:s2+s15], $0x80, s11, s15, $0xb8;
	[tilespmem:$0x14400] =	vst v63  }
0x95: {  	s24 =	simm.s32 $0xA000  }
0x96: {  	[tilespmem:s24], [sflag:$0x6] =	stream.indirect.gather [hbm4b:s2+s15], $0x80, s12, s15, $0xb8;
	[tilespmem:$0x14400] =	vst v63  }
0x97: {  	s18 =	simm.s32 $0xC000  }
0x98: {  	[tilespmem:s18], [sflag:$0x7] =	stream.indirect.gather [hbm4b:s2+s15], $0x80, s10, s15, $0xb8;
	[tilespmem:$0x14400] =	vst v63  }
0x99: {  	s1 =	simm.s32 $0xE000  }
0x9a: {  	[tilespmem:s1], [sflag:$0x8] =	stream.indirect.gather [hbm4b:s2+s15], $0x80, s9, s15, $0xb8;
	[tilespmem:$0x14400] =	vst v63  }
0x9b: {  	s20 =	simm.s32 $0x10000  }
0x9c: {  	[tilespmem:s20], [sflag:$0x9] =	stream.indirect.gather [hbm4b:s2+s15], $0x80, s8, s15, $0xb8;
	[tilespmem:$0x14400] =	vst v63  }
0x9d: {  	_ =	swait.ge [sflag:s26], $0x2000  }
0x9e: {  	[sflag:s26] =	ssyncset.done $0x0  }
0x9f: {  	s17 =	simm.s32 $0x2;
	[sflag:s26] =	ssyncadd.s32 $0xFFFFE000  }
0xa0: {  	_ =	swait.ge [sflag:s17], $0x2000  }
0xa1: {  	[sflag:s17] =	ssyncset.done $0x0  }
0xa2: {  	[sflag:s17] =	ssyncadd.s32 $0xFFFFE000  }
0xa3: {  	_ =	swait.ge [sflag:s29], $0x2000  }
0xa4: {  	[sflag:s29] =	ssyncset.done $0x0  }
0xa5: {  	[sflag:s29] =	ssyncadd.s32 $0xFFFFE000  }
0xa6: {  	_ =	swait.ge [sflag:s30], $0x2000  }
0xa7: {  	[sflag:s30] =	ssyncset.done $0x0  }
0xa8: {  	[sflag:s30] =	ssyncadd.s32 $0xFFFFE000  }
0xa9: {  	_ =	swait.ge [sflag:s31], $0x2000  }
0xaa: {  	[sflag:s31] =	ssyncset.done $0x0  }
0xab: {  	s17 =	simm.s32 $0x6;
	[sflag:s31] =	ssyncadd.s32 $0xFFFFE000  }
0xac: {  	_ =	swait.ge [sflag:s17], $0x2000  }
0xad: {  	[sflag:s17] =	ssyncset.done $0x0  }
0xae: {  	[sflag:s17] =	ssyncadd.s32 $0xFFFFE000  }
0xaf: {  	_ =	swait.ge [sflag:s0], $0x2000  }
0xb0: {  	[sflag:s0] =	ssyncset.done $0x0  }
0xb1: {  	[sflag:s0] =	ssyncadd.s32 $0xFFFFE000  }
0xb2: {  	_ =	swait.ge [sflag:s19], $0x2000  }
0xb3: {  	[sflag:s19] =	ssyncset.done $0x0  }
0xb4: {  	[sflag:s19] =	ssyncadd.s32 $0xFFFFE000  }
0xb5: {  	_ =	swait.ge [sflag:s23], $0x2000  }
0xb6: {  	s16 =	smov.u32 s7;
	s17 =	rddreg [dreg:$0x3];
	[sflag:s23] =	ssyncset.done $0x0  }
0xb7: {  	[sflag:s23] =	ssyncadd.s32 $0xFFFFE000;
	s16 =	sadd.s32 s16, s17  }
0xb8: {  	[hbm4b:s16+s3] =	stream.linear.scatter [tilespmem:s3], [sflag:$0xA], $0x2000, $0x38;
	[tilespmem:$0x14400] =	vst v63  }
0xb9: {  	_ =	swait.ge [sflag:s14], $0x2000  }
0xba: {  	[sflag:s14] =	ssyncset.done $0x0  }
0xbb: {  	s17 =	sadd.s32 $0x78000, s16;
	[sflag:s14] =	ssyncadd.s32 $0xFFFFE000  }
0xbc: {  	[hbm4b:s17+s3] =	stream.linear.scatter [tilespmem:s28], [sflag:$0xA], $0x2000, $0x38;
	[tilespmem:$0x14400] =	vst v63  }
0xbd: {  	_ =	swait.ge [sflag:s14], $0x2000  }
0xbe: {  	[sflag:s14] =	ssyncset.done $0x0  }
0xbf: {  	s28 =	sadd.s32 $0xF0000, s16;
	[sflag:s14] =	ssyncadd.s32 $0xFFFFE000  }
0xc0: {  	[hbm4b:s28+s3] =	stream.linear.scatter [tilespmem:s21], [sflag:$0xA], $0x2000, $0x38;
	[tilespmem:$0x14400] =	vst v63  }
0xc1: {  	_ =	swait.ge [sflag:s14], $0x2000  }
0xc2: {  	[sflag:s14] =	ssyncset.done $0x0  }
0xc3: {  	s28 =	sadd.s32 $0x168000, s16;
	[sflag:s14] =	ssyncadd.s32 $0xFFFFE000  }
0xc4: {  	[hbm4b:s28+s3] =	stream.linear.scatter [tilespmem:s22], [sflag:$0xA], $0x2000, $0x38;
	[tilespmem:$0x14400] =	vst v63  }
0xc5: {  	_ =	swait.ge [sflag:s14], $0x2000  }
0xc6: {  	[sflag:s14] =	ssyncset.done $0x0  }
0xc7: {  	s21 =	sadd.s32 $0x1E0000, s16;
	[sflag:s14] =	ssyncadd.s32 $0xFFFFE000  }
0xc8: {  	[hbm4b:s21+s3] =	stream.linear.scatter [tilespmem:s25], [sflag:$0xA], $0x2000, $0x38;
	[tilespmem:$0x14400] =	vst v63  }
0xc9: {  	_ =	swait.ge [sflag:s14], $0x2000  }
0xca: {  	[sflag:s14] =	ssyncset.done $0x0  }
0xcb: {  	s22 =	sadd.s32 $0x258000, s16;
	[sflag:s14] =	ssyncadd.s32 $0xFFFFE000  }
0xcc: {  	[hbm4b:s22+s3] =	stream.linear.scatter [tilespmem:s24], [sflag:$0xA], $0x2000, $0x38;
	[tilespmem:$0x14400] =	vst v63  }
0xcd: {  	_ =	swait.ge [sflag:s14], $0x2000  }
0xce: {  	[sflag:s14] =	ssyncset.done $0x0  }
0xcf: {  	s25 =	sadd.s32 $0x2D0000, s16;
	[sflag:s14] =	ssyncadd.s32 $0xFFFFE000  }
0xd0: {  	[hbm4b:s25+s3] =	stream.linear.scatter [tilespmem:s18], [sflag:$0xA], $0x2000, $0x38;
	[tilespmem:$0x14400] =	vst v63  }
0xd1: {  	_ =	swait.ge [sflag:s14], $0x2000  }
0xd2: {  	[sflag:s14] =	ssyncset.done $0x0  }
0xd3: {  	p0 =	sne.s32 s7, $0x3800;
	s28 =	sadd.s32 $0x348000, s16;
	[sflag:s14] =	ssyncadd.s32 $0xFFFFE000  }
0xd4: {  	[hbm4b:s28+s3] =	stream.linear.scatter [tilespmem:s1], [sflag:$0xA], $0x2000, $0x38;
	[tilespmem:$0x14400] =	vst v63  }
0xd5: {  	s7 =	sadd.s32 $0x400, s7;
	s13 =	sadd.s32 $0x40, s13;
	_ =	swait.ge [sflag:s14], $0x2000  }
.Ltmp0:
0xd6: {  	s4 =	sadd.s32 $0x40, s4;
	[sflag:s14] =	ssyncset.done $0x0;
	(pc) =	sbr.rel @p0 .LBB2_2-.Ltmp0, $4  }
0xd7: {  	s11 =	sadd.s32 $0x40, s11;
	s16 =	sadd.s32 $0x3C0000, s16;
	[sflag:s14] =	ssyncadd.s32 $0xFFFFE000  }
0xd8: {  	[hbm4b:s16+s3] =	stream.linear.scatter [tilespmem:s20], [sflag:$0xA], $0x2000, $0x38;
	[tilespmem:$0x14400] =	vst v63  }
0xd9: {  	s12 =	sadd.s32 $0x40, s12;
	s10 =	sadd.s32 $0x40, s10;
	_ =	swait.ge [sflag:s14], $0x2000  }
0xda: {  	s9 =	sadd.s32 $0x40, s9;
	s8 =	sadd.s32 $0x40, s8;
	[sflag:s14] =	ssyncset.done $0x0  }
0xdb: {  	s5 =	rddreg [dreg:$0xe]  }
0xdc: {  	s4 =	rddreg [dreg:$0xd]  }
0xdd: {  	[sflag:s14] =	ssyncadd.s32 $0xFFFFE000;
	s16 =	simm.s32 $0x2000;
	s5 =	sadd.s32 $0x1, s5  }
0xde: {  	s17 =	simm.s32 $0x4000;
	s18 =	simm.s32 $0x6000;
	p0 =	sne.s32 s5, s4  }
.Ltmp1:
0xdf: {  	s19 =	simm.s32 $0x8000;
	s20 =	simm.s32 $0xA000;
	(pc) =	sbr.rel @p0 .LBB2_1-.Ltmp1, $4  }
0xe0: {  	s21 =	simm.s32 $0xC000;
	s22 =	simm.s32 $0xE000;
	s23 =	simm.s32 $0x10000  }
0xe1: {  	s24 =	simm.s32 $0x1;
	s25 =	simm.s32 $0x2;
	s26 =	simm.s32 $0x3  }
0xe2: {  	s28 =	simm.s32 $0x4;
	s29 =	simm.s32 $0x5;
	s1 =	simm.s32 $0x6  }
0xe3: {  	s0 =	simm.s32 $0x7;
	s30 =	simm.s32 $0x8;
	s31 =	simm.s32 $0x9  }
0xe4: {  	_ =	sfence.sel $0x180000  }
0xe5: {  	[bflag:$0x0] =	sbarrier.arrive $0xFFFF  }
0xe6: {  	_ =	strace $0x90000047  }
0xe7: {  	s0 =	stileid.u32;
	[bflag:$0x2] =	sbarrier.arrive $0xFFFF  }
0xe8: {  	p0 =	sne.s32 s0, $0x0;
	s0 =	rddreg [dreg:$0x2]  }
0xe9: {  	s0 =	sadd.s32 @!p0 $0x100000, s0  }
0xea: {  	[sflag:s0] =	ssyncadd.tile.s32 @!p0 $0x1;
	_ =	shalt  }
.Lfunc_end2:
_tile_overlayer_lowered:
.L_overlay_start_2:
0xeb: {  	(tag) =	ssettag $0x2  }
0xec: {  	s0 =	rddreg [dreg:$0x0];
	s2 =	stileid.u32  }
0xed: {  	s1 =	rddreg [dreg:$0x1];
	p0 =	sne.s32 s2, $0x0  }
0xee: {  	s3 =	rddreg [dreg:$0x2];
	[bflag:$0x3] =	sbarrier.arrive $0xFFFF;
	s2 =	simm.s32 @!p0 $0x1C0A  }
0xef: {  	[timem:s3], [sflag:s2] =	dma.local @!p0 [hbm:s0], s1  }
0xf0: {  	s0 =	simm.s32 @!p0 $0xA  }
0xf1: {  	_ =	swait.ge @!p0 [sflag:s0], s1  }
0xf2: {  	s1 =	ssub.s32 @!p0 $0x0, s1;
	[sflag:s0] =	ssyncset.done @!p0 $0x0  }
0xf3: {  	[sflag:s0] =	ssyncadd.s32 @!p0 s1  }
0xf4: {  	[bflag:$0x3] =	sbarrier.arrive $0xFFFF  }
0xf5: {  	_ =	shalt  }

</sc_bundles>
